<compile_context>
chip_gen: v7x
topology: tpu7x:2x2x1
jax: 0.10.2.dev20260603
libtpu: 0.0.44.dev20260713+nightly
codegen_flags: <defaults>
</compile_context>

<pallas_src>
import functools

import jax
import jax.numpy as jnp
from jax import lax
from jax.experimental import pallas as pl
from jax.experimental.pallas import tpu as pltpu
from jax.experimental.pallas import tpu_sc as plsc

B = 16384
D = 128
H = 16
NC = 2
NS = 16
NW = NC * NS
BPW = B // NW
CHUNK = 128
NCH = BPW // CHUNK
NBUF = 7
NITEMS = 2 * NCH


def _gather_body(uidx, pidx, utab, ptab, u_out, p_out, idx_u, idx_p,
                 *bufsem):
    rows = bufsem[:NBUF]
    gsem = bufsem[NBUF:2 * NBUF]
    ssem = bufsem[2 * NBUF:]
    wid = lax.axis_index("s") * NC + lax.axis_index("c")
    base = wid * BPW
    pltpu.sync_copy(uidx.at[pl.ds(NCH * wid, NCH)], idx_u)
    pltpu.sync_copy(pidx.at[pl.ds(NCH * wid, NCH)], idx_p)

    items = [(utab, idx_u, u_out, j) for j in range(NCH)] + [
        (ptab, idx_p, p_out, j) for j in range(NCH)
    ]

    def start_gather(i, b):
        tab, idx, _, j = items[i]
        pltpu.async_copy(tab.at[idx.at[j]], rows[b], gsem[b])

    def wait_gather(i, b):
        tab, idx, _, j = items[i]
        pltpu.make_async_copy(tab.at[idx.at[j]], rows[b], gsem[b]).wait()

    def wait_scatter(i, b):
        _, _, out, j = items[i]
        pltpu.make_async_copy(
            rows[b], out.at[pl.ds(base + j * CHUNK, CHUNK)], ssem[b]
        ).wait()

    for i in range(min(NBUF, NITEMS)):
        start_gather(i, i)
    pending = {}
    for i in range(NITEMS):
        b = i % NBUF
        wait_gather(i, b)
        _, _, out, j = items[i]
        pltpu.async_copy(
            rows[b], out.at[pl.ds(base + j * CHUNK, CHUNK)], ssem[b]
        )
        pending[b] = i
        if i + NBUF < NITEMS:
            wait_scatter(pending.pop(b), b)
            start_gather(i + NBUF, b)
    for b, i in pending.items():
        wait_scatter(i, b)


@functools.cache
def _gather():
    return functools.partial(
        pl.kernel,
        mesh=plsc.VectorSubcoreMesh(core_axis_name="c", subcore_axis_name="s"),
        out_type=[
            jax.ShapeDtypeStruct((B, D), jnp.float32),
            jax.ShapeDtypeStruct((B, D), jnp.float32),
        ],
        scratch_types=(
            [pltpu.VMEM((NCH, CHUNK), jnp.int32)] * 2
            + [pltpu.VMEM((CHUNK, D), jnp.float32)] * NBUF
            + [pltpu.SemaphoreType.DMA] * (2 * NBUF)
        ),
    )(_gather_body)


BM = 4096


def _mlp_body(u_ref, p_ref, w1_ref, b1_ref, w2_ref, b2_ref, o_ref):
    h = jnp.dot(u_ref[...], w1_ref[:D, :], preferred_element_type=jnp.float32)
    h = h + jnp.dot(p_ref[...], w1_ref[D:, :], preferred_element_type=jnp.float32)
    h = jnp.maximum(h + b1_ref[...], 0.0)
    res = jnp.dot(h, w2_ref[...], preferred_element_type=jnp.float32) + b2_ref[...]
    o_ref[...] = res.reshape(BM)


def _mlp(u_rows, p_rows, W1, b1, W2, b2):
    return pl.pallas_call(
        _mlp_body,
        grid=(B // BM,),
        in_specs=[
            pl.BlockSpec((BM, D), lambda i: (i, 0)),
            pl.BlockSpec((BM, D), lambda i: (i, 0)),
            pl.BlockSpec((2 * D, H), lambda i: (0, 0)),
            pl.BlockSpec((1, H), lambda i: (0, 0)),
            pl.BlockSpec((H, 1), lambda i: (0, 0)),
            pl.BlockSpec((1, 1), lambda i: (0, 0)),
        ],
        out_specs=pl.BlockSpec((BM,), lambda i: (i,)),
        out_shape=jax.ShapeDtypeStruct((B,), jnp.float32),
    )(u_rows, p_rows, W1, b1, W2, b2)


def kernel(inputs, user_table, prod_table, W1, b1, W2, b2):
    uidx = inputs[:, 0].astype(jnp.int32).reshape(B // CHUNK, CHUNK)
    pidx = inputs[:, 1].astype(jnp.int32).reshape(B // CHUNK, CHUNK)
    u_rows, p_rows = _gather()(uidx, pidx, user_table, prod_table)
    out = _mlp(u_rows, p_rows, W1, b1.reshape(1, H), W2, b2.reshape(1, 1))
    return out.reshape(B, 1)

# --- scband reference (transcript-rebuilt; emitter-appended) ---
"""Pipeline reference for scband-non-linear-cf-841813590358 (READ-ONLY COPY).

The authoritative reference and input builder live on the scoring server;
editing this copy changes nothing except your own understanding.
"""

import jax, jax.numpy as jnp
import numpy as np

N_USERS = 100000
N_PRODUCTS = 100000
USER_DIM = 128
PRODUCT_DIM = 128
IN_FEATS = USER_DIM + PRODUCT_DIM  # 256
HIDDEN = 2 ** int(np.log2(np.sqrt(IN_FEATS)))  # 2**int(4.0) = 16
BATCH = 16384


def setup_inputs(seed: int = 0) -> dict:
    key = jax.random.key(seed)
    k_idx, k_u, k_p, k_w1, k_b1, k_w2, k_b2 = jax.random.split(key, 7)
    inputs = jax.random.randint(k_idx, (BATCH, 2), 0, N_USERS, dtype=jnp.int64 if jax.config.read('jax_enable_x64') else jnp.int32)
    # sqrt_uniform_init: U(-1/sqrt(dim), 1/sqrt(dim)) on embedding tables
    user_table = jax.random.uniform(k_u, (N_USERS, USER_DIM), jnp.float32, -1.0 / np.sqrt(USER_DIM), 1.0 / np.sqrt(USER_DIM))
    prod_table = jax.random.uniform(k_p, (N_PRODUCTS, PRODUCT_DIM), jnp.float32, -1.0 / np.sqrt(PRODUCT_DIM), 1.0 / np.sqrt(PRODUCT_DIM))
    # MLP: Linear(256 -> 16), ReLU, Linear(16 -> 1)
    W1 = jax.random.uniform(k_w1, (IN_FEATS, HIDDEN), jnp.float32, -1.0 / np.sqrt(IN_FEATS), 1.0 / np.sqrt(IN_FEATS))
    b1 = jax.random.uniform(k_b1, (HIDDEN,), jnp.float32, -1.0 / np.sqrt(IN_FEATS), 1.0 / np.sqrt(IN_FEATS))
    W2 = jax.random.uniform(k_w2, (HIDDEN, 1), jnp.float32, -1.0 / np.sqrt(HIDDEN), 1.0 / np.sqrt(HIDDEN))
    b2 = jax.random.uniform(k_b2, (1,), jnp.float32, -1.0 / np.sqrt(HIDDEN), 1.0 / np.sqrt(HIDDEN))
    return {"inputs": inputs, "user_table": user_table, "prod_table": prod_table, "W1": W1, "b1": b1, "W2": W2, "b2": b2}


def reference(inputs, user_table, prod_table, W1, b1, W2, b2):
    u = jnp.take(user_table, inputs[:, 0], axis=0)   # (B, user_dim) gather
    p = jnp.take(prod_table, inputs[:, 1], axis=0)   # (B, product_dim) gather
    features = jnp.concatenate((u, p), axis=-1)      # (B, 256)
    h = jax.nn.relu(features @ W1 + b1)              # (B, 16)
    out = h @ W2 + b2                                # (B, 1)
    return out

if __name__ == "__main__":
    import jax
    _d = setup_inputs()
    print(jax.jit(kernel)(*tuple(_d.values())))

</pallas_src>

<mosaic_0001>
#map = affine_map<(d0, d1) -> (0, 0)>
module attributes {stable_mosaic.version = 14 : i64} {
  func.func @_gather_body(%arg0: i32, %arg1: i32, %arg2: memref<128x128xi32, #tpu.memory_space<hbm>>, %arg3: memref<128x128xi32, #tpu.memory_space<hbm>>, %arg4: memref<100000x128xf32, #tpu.memory_space<hbm>>, %arg5: memref<100000x128xf32, #tpu.memory_space<hbm>>, %arg6: memref<16384x128xf32, #tpu.memory_space<hbm>>, %arg7: memref<16384x128xf32, #tpu.memory_space<hbm>>, %arg8: memref<4x128xi32, #tpu.memory_space<vmem>>, %arg9: memref<4x128xi32, #tpu.memory_space<vmem>>, %arg10: memref<128x128xf32, #tpu.memory_space<vmem>>, %arg11: memref<128x128xf32, #tpu.memory_space<vmem>>, %arg12: memref<128x128xf32, #tpu.memory_space<vmem>>, %arg13: memref<128x128xf32, #tpu.memory_space<vmem>>, %arg14: memref<128x128xf32, #tpu.memory_space<vmem>>, %arg15: memref<128x128xf32, #tpu.memory_space<vmem>>, %arg16: memref<128x128xf32, #tpu.memory_space<vmem>>, %arg17: memref<!tpu.dma_semaphore, #tpu.memory_space<semaphore_mem>>, %arg18: memref<!tpu.dma_semaphore, #tpu.memory_space<semaphore_mem>>, %arg19: memref<!tpu.dma_semaphore, #tpu.memory_space<semaphore_mem>>, %arg20: memref<!tpu.dma_semaphore, #tpu.memory_space<semaphore_mem>>, %arg21: memref<!tpu.dma_semaphore, #tpu.memory_space<semaphore_mem>>, %arg22: memref<!tpu.dma_semaphore, #tpu.memory_space<semaphore_mem>>, %arg23: memref<!tpu.dma_semaphore, #tpu.memory_space<semaphore_mem>>, %arg24: memref<!tpu.dma_semaphore, #tpu.memory_space<semaphore_mem>>, %arg25: memref<!tpu.dma_semaphore, #tpu.memory_space<semaphore_mem>>, %arg26: memref<!tpu.dma_semaphore, #tpu.memory_space<semaphore_mem>>, %arg27: memref<!tpu.dma_semaphore, #tpu.memory_space<semaphore_mem>>, %arg28: memref<!tpu.dma_semaphore, #tpu.memory_space<semaphore_mem>>, %arg29: memref<!tpu.dma_semaphore, #tpu.memory_space<semaphore_mem>>, %arg30: memref<!tpu.dma_semaphore, #tpu.memory_space<semaphore_mem>>) attributes {dimension_semantics = [#tpu.dimension_semantics<core_parallel>, #tpu.dimension_semantics<subcore_parallel>], iteration_bounds = array<i64: 2, 16>, scalar_prefetch = 0 : i64, scratch_operands = 23 : i64, tpu.core_type = #tpu.core_type<sc_vector_subcore>, window_params = [{transform_indices = #map}, {transform_indices = #map}, {transform_indices = #map}, {transform_indices = #map}, {transform_indices = #map}, {transform_indices = #map}]} {
    %mul3A = arith.constant 2 : i32
    %mul3A_0 = arith.muli %arg1, %mul3A : i32
    %add3A = arith.addi %mul3A_0, %arg0 : i32
    %mul3A_1 = arith.constant 512 : i32
    %mul3A_2 = arith.muli %add3A, %mul3A_1 : i32
    %mul3A_3 = arith.constant 4 : i32
    %mul3A_4 = arith.muli %mul3A_3, %add3A : i32
    "tpu.region"() ({
      %run_scoped3A = tpu.sem_alloc : memref<!tpu.dma_semaphore, #tpu.memory_space<semaphore_mem>>
      %dma_start3A_213 = arith.constant 0 : i32
      %dma_start3A_214 = tpu.memref_slice %arg2[%mul3A_4, %dma_start3A_213] : memref<128x128xi32, #tpu.memory_space<hbm>> -> memref<4x128xi32, #tpu.memory_space<hbm>>
      %dma_start3A_215 = arith.constant 0 : i32
      %dma_start3A_216 = tpu.memref_slice %arg2[%mul3A_4, %dma_start3A_215] : memref<128x128xi32, #tpu.memory_space<hbm>> -> memref<4x128xi32, #tpu.memory_space<hbm>>
      tpu.enqueue_dma source(%dma_start3A_216 : memref<4x128xi32, #tpu.memory_space<hbm>>) target(%arg8 : memref<4x128xi32, #tpu.memory_space<vmem>>) target_semaphore(%run_scoped3A : memref<!tpu.dma_semaphore, #tpu.memory_space<semaphore_mem>>)
      %dma_wait3A_217 = arith.constant 0 : i32
      %dma_wait3A_218 = tpu.memref_slice %arg2[%mul3A_4, %dma_wait3A_217] : memref<128x128xi32, #tpu.memory_space<hbm>> -> memref<4x128xi32, #tpu.memory_space<hbm>>
      %dma_wait3A_219 = arith.constant 0 : i32
      %dma_wait3A_220 = tpu.memref_slice %arg2[%mul3A_4, %dma_wait3A_219] : memref<128x128xi32, #tpu.memory_space<hbm>> -> memref<4x128xi32, #tpu.memory_space<hbm>>
      tpu.wait_dma2 semaphore(%run_scoped3A : memref<!tpu.dma_semaphore, #tpu.memory_space<semaphore_mem>>) src(%dma_wait3A_220 : memref<4x128xi32, #tpu.memory_space<hbm>>) dst(%arg8 : memref<4x128xi32, #tpu.memory_space<vmem>>)
      tpu.yield
    }) : () -> ()
    %mul3A_5 = arith.constant 4 : i32
    %mul3A_6 = arith.muli %mul3A_5, %add3A : i32
    "tpu.region"() ({
      %run_scoped3A = tpu.sem_alloc : memref<!tpu.dma_semaphore, #tpu.memory_space<semaphore_mem>>
      %dma_start3A_213 = arith.constant 0 : i32
      %dma_start3A_214 = tpu.memref_slice %arg3[%mul3A_6, %dma_start3A_213] : memref<128x128xi32, #tpu.memory_space<hbm>> -> memref<4x128xi32, #tpu.memory_space<hbm>>
      %dma_start3A_215 = arith.constant 0 : i32
      %dma_start3A_216 = tpu.memref_slice %arg3[%mul3A_6, %dma_start3A_215] : memref<128x128xi32, #tpu.memory_space<hbm>> -> memref<4x128xi32, #tpu.memory_space<hbm>>
      tpu.enqueue_dma source(%dma_start3A_216 : memref<4x128xi32, #tpu.memory_space<hbm>>) target(%arg9 : memref<4x128xi32, #tpu.memory_space<vmem>>) target_semaphore(%run_scoped3A : memref<!tpu.dma_semaphore, #tpu.memory_space<semaphore_mem>>)
      %dma_wait3A_217 = arith.constant 0 : i32
      %dma_wait3A_218 = tpu.memref_slice %arg3[%mul3A_6, %dma_wait3A_217] : memref<128x128xi32, #tpu.memory_space<hbm>> -> memref<4x128xi32, #tpu.memory_space<hbm>>
      %dma_wait3A_219 = arith.constant 0 : i32
      %dma_wait3A_220 = tpu.memref_slice %arg3[%mul3A_6, %dma_wait3A_219] : memref<128x128xi32, #tpu.memory_space<hbm>> -> memref<4x128xi32, #tpu.memory_space<hbm>>
      tpu.wait_dma2 semaphore(%run_scoped3A : memref<!tpu.dma_semaphore, #tpu.memory_space<semaphore_mem>>) src(%dma_wait3A_220 : memref<4x128xi32, #tpu.memory_space<hbm>>) dst(%arg9 : memref<4x128xi32, #tpu.memory_space<vmem>>)
      tpu.yield
    }) : () -> ()
    %dma_start3A = arith.constant 0 : i32
    %dma_start3A_7 = arith.constant 0 : i32
    %dma_start3A_8 = tpu.memref_slice %arg8[%dma_start3A, %dma_start3A_7] : memref<4x128xi32, #tpu.memory_space<vmem>> -> memref<1x128xi32, #tpu.memory_space<vmem>>
    %dma_start3A_9 = tpu.memref_squeeze %dma_start3A_8 : memref<1x128xi32, #tpu.memory_space<vmem>> -> memref<128xi32, #tpu.memory_space<vmem>>
    %dma_start3A_10 = arith.constant 0 : i32
    %dma_start3A_11 = arith.constant 0 : i32
    %dma_start3A_12 = tpu.memref_slice %arg4[%dma_start3A_10, %dma_start3A_11] : memref<100000x128xf32, #tpu.memory_space<hbm>> -> memref<100000x128xf32, #tpu.memory_space<hbm>>
    tpu.enqueue_indirect_dma source(%dma_start3A_12 : memref<100000x128xf32, #tpu.memory_space<hbm>>) target(%arg10 : memref<128x128xf32, #tpu.memory_space<vmem>>) offsets(%dma_start3A_9 : memref<128xi32, #tpu.memory_space<vmem>>) semaphore(%arg17 : memref<!tpu.dma_semaphore, #tpu.memory_space<semaphore_mem>>)
    %dma_start3A_13 = arith.constant 1 : i32
    %dma_start3A_14 = arith.constant 0 : i32
    %dma_start3A_15 = tpu.memref_slice %arg8[%dma_start3A_13, %dma_start3A_14] : memref<4x128xi32, #tpu.memory_space<vmem>> -> memref<1x128xi32, #tpu.memory_space<vmem>>
    %dma_start3A_16 = tpu.memref_squeeze %dma_start3A_15 : memref<1x128xi32, #tpu.memory_space<vmem>> -> memref<128xi32, #tpu.memory_space<vmem>>
    %dma_start3A_17 = arith.constant 0 : i32
    %dma_start3A_18 = arith.constant 0 : i32
    %dma_start3A_19 = tpu.memref_slice %arg4[%dma_start3A_17, %dma_start3A_18] : memref<100000x128xf32, #tpu.memory_space<hbm>> -> memref<100000x128xf32, #tpu.memory_space<hbm>>
    tpu.enqueue_indirect_dma source(%dma_start3A_19 : memref<100000x128xf32, #tpu.memory_space<hbm>>) target(%arg11 : memref<128x128xf32, #tpu.memory_space<vmem>>) offsets(%dma_start3A_16 : memref<128xi32, #tpu.memory_space<vmem>>) semaphore(%arg18 : memref<!tpu.dma_semaphore, #tpu.memory_space<semaphore_mem>>)
    %dma_start3A_20 = arith.constant 2 : i32
    %dma_start3A_21 = arith.constant 0 : i32
    %dma_start3A_22 = tpu.memref_slice %arg8[%dma_start3A_20, %dma_start3A_21] : memref<4x128xi32, #tpu.memory_space<vmem>> -> memref<1x128xi32, #tpu.memory_space<vmem>>
    %dma_start3A_23 = tpu.memref_squeeze %dma_start3A_22 : memref<1x128xi32, #tpu.memory_space<vmem>> -> memref<128xi32, #tpu.memory_space<vmem>>
    %dma_start3A_24 = arith.constant 0 : i32
    %dma_start3A_25 = arith.constant 0 : i32
    %dma_start3A_26 = tpu.memref_slice %arg4[%dma_start3A_24, %dma_start3A_25] : memref<100000x128xf32, #tpu.memory_space<hbm>> -> memref<100000x128xf32, #tpu.memory_space<hbm>>
    tpu.enqueue_indirect_dma source(%dma_start3A_26 : memref<100000x128xf32, #tpu.memory_space<hbm>>) target(%arg12 : memref<128x128xf32, #tpu.memory_space<vmem>>) offsets(%dma_start3A_23 : memref<128xi32, #tpu.memory_space<vmem>>) semaphore(%arg19 : memref<!tpu.dma_semaphore, #tpu.memory_space<semaphore_mem>>)
    %dma_start3A_27 = arith.constant 3 : i32
    %dma_start3A_28 = arith.constant 0 : i32
    %dma_start3A_29 = tpu.memref_slice %arg8[%dma_start3A_27, %dma_start3A_28] : memref<4x128xi32, #tpu.memory_space<vmem>> -> memref<1x128xi32, #tpu.memory_space<vmem>>
    %dma_start3A_30 = tpu.memref_squeeze %dma_start3A_29 : memref<1x128xi32, #tpu.memory_space<vmem>> -> memref<128xi32, #tpu.memory_space<vmem>>
    %dma_start3A_31 = arith.constant 0 : i32
    %dma_start3A_32 = arith.constant 0 : i32
    %dma_start3A_33 = tpu.memref_slice %arg4[%dma_start3A_31, %dma_start3A_32] : memref<100000x128xf32, #tpu.memory_space<hbm>> -> memref<100000x128xf32, #tpu.memory_space<hbm>>
    tpu.enqueue_indirect_dma source(%dma_start3A_33 : memref<100000x128xf32, #tpu.memory_space<hbm>>) target(%arg13 : memref<128x128xf32, #tpu.memory_space<vmem>>) offsets(%dma_start3A_30 : memref<128xi32, #tpu.memory_space<vmem>>) semaphore(%arg20 : memref<!tpu.dma_semaphore, #tpu.memory_space<semaphore_mem>>)
    %dma_start3A_34 = arith.constant 0 : i32
    %dma_start3A_35 = arith.constant 0 : i32
    %dma_start3A_36 = tpu.memref_slice %arg9[%dma_start3A_34, %dma_start3A_35] : memref<4x128xi32, #tpu.memory_space<vmem>> -> memref<1x128xi32, #tpu.memory_space<vmem>>
    %dma_start3A_37 = tpu.memref_squeeze %dma_start3A_36 : memref<1x128xi32, #tpu.memory_space<vmem>> -> memref<128xi32, #tpu.memory_space<vmem>>
    %dma_start3A_38 = arith.constant 0 : i32
    %dma_start3A_39 = arith.constant 0 : i32
    %dma_start3A_40 = tpu.memref_slice %arg5[%dma_start3A_38, %dma_start3A_39] : memref<100000x128xf32, #tpu.memory_space<hbm>> -> memref<100000x128xf32, #tpu.memory_space<hbm>>
    tpu.enqueue_indirect_dma source(%dma_start3A_40 : memref<100000x128xf32, #tpu.memory_space<hbm>>) target(%arg14 : memref<128x128xf32, #tpu.memory_space<vmem>>) offsets(%dma_start3A_37 : memref<128xi32, #tpu.memory_space<vmem>>) semaphore(%arg21 : memref<!tpu.dma_semaphore, #tpu.memory_space<semaphore_mem>>)
    %dma_start3A_41 = arith.constant 1 : i32
    %dma_start3A_42 = arith.constant 0 : i32
    %dma_start3A_43 = tpu.memref_slice %arg9[%dma_start3A_41, %dma_start3A_42] : memref<4x128xi32, #tpu.memory_space<vmem>> -> memref<1x128xi32, #tpu.memory_space<vmem>>
    %dma_start3A_44 = tpu.memref_squeeze %dma_start3A_43 : memref<1x128xi32, #tpu.memory_space<vmem>> -> memref<128xi32, #tpu.memory_space<vmem>>
    %dma_start3A_45 = arith.constant 0 : i32
    %dma_start3A_46 = arith.constant 0 : i32
    %dma_start3A_47 = tpu.memref_slice %arg5[%dma_start3A_45, %dma_start3A_46] : memref<100000x128xf32, #tpu.memory_space<hbm>> -> memref<100000x128xf32, #tpu.memory_space<hbm>>
    tpu.enqueue_indirect_dma source(%dma_start3A_47 : memref<100000x128xf32, #tpu.memory_space<hbm>>) target(%arg15 : memref<128x128xf32, #tpu.memory_space<vmem>>) offsets(%dma_start3A_44 : memref<128xi32, #tpu.memory_space<vmem>>) semaphore(%arg22 : memref<!tpu.dma_semaphore, #tpu.memory_space<semaphore_mem>>)
    %dma_start3A_48 = arith.constant 2 : i32
    %dma_start3A_49 = arith.constant 0 : i32
    %dma_start3A_50 = tpu.memref_slice %arg9[%dma_start3A_48, %dma_start3A_49] : memref<4x128xi32, #tpu.memory_space<vmem>> -> memref<1x128xi32, #tpu.memory_space<vmem>>
    %dma_start3A_51 = tpu.memref_squeeze %dma_start3A_50 : memref<1x128xi32, #tpu.memory_space<vmem>> -> memref<128xi32, #tpu.memory_space<vmem>>
    %dma_start3A_52 = arith.constant 0 : i32
    %dma_start3A_53 = arith.constant 0 : i32
    %dma_start3A_54 = tpu.memref_slice %arg5[%dma_start3A_52, %dma_start3A_53] : memref<100000x128xf32, #tpu.memory_space<hbm>> -> memref<100000x128xf32, #tpu.memory_space<hbm>>
    tpu.enqueue_indirect_dma source(%dma_start3A_54 : memref<100000x128xf32, #tpu.memory_space<hbm>>) target(%arg16 : memref<128x128xf32, #tpu.memory_space<vmem>>) offsets(%dma_start3A_51 : memref<128xi32, #tpu.memory_space<vmem>>) semaphore(%arg23 : memref<!tpu.dma_semaphore, #tpu.memory_space<semaphore_mem>>)
    %dma_wait3A = arith.constant 0 : i32
    %dma_wait3A_55 = arith.constant 0 : i32
    %dma_wait3A_56 = tpu.memref_slice %arg8[%dma_wait3A, %dma_wait3A_55] : memref<4x128xi32, #tpu.memory_space<vmem>> -> memref<1x128xi32, #tpu.memory_space<vmem>>
    %dma_wait3A_57 = tpu.memref_squeeze %dma_wait3A_56 : memref<1x128xi32, #tpu.memory_space<vmem>> -> memref<128xi32, #tpu.memory_space<vmem>>
    %dma_wait3A_58 = arith.constant 0 : i32
    %dma_wait3A_59 = arith.constant 0 : i32
    %dma_wait3A_60 = tpu.memref_slice %arg4[%dma_wait3A_58, %dma_wait3A_59] : memref<100000x128xf32, #tpu.memory_space<hbm>> -> memref<100000x128xf32, #tpu.memory_space<hbm>>
    tpu.wait_indirect_dma semaphore(%arg17 : memref<!tpu.dma_semaphore, #tpu.memory_space<semaphore_mem>>) src(%dma_wait3A_60 : memref<100000x128xf32, #tpu.memory_space<hbm>>) dst(%arg10 : memref<128x128xf32, #tpu.memory_space<vmem>>)
    %add3A_61 = arith.constant 0 : i32
    %add3A_62 = arith.addi %mul3A_2, %add3A_61 : i32
    %dma_start3A_63 = arith.constant 0 : i32
    %dma_start3A_64 = tpu.memref_slice %arg6[%add3A_62, %dma_start3A_63] : memref<16384x128xf32, #tpu.memory_space<hbm>> -> memref<128x128xf32, #tpu.memory_space<hbm>>
    %dma_start3A_65 = arith.constant 0 : i32
    %dma_start3A_66 = tpu.memref_slice %arg6[%add3A_62, %dma_start3A_65] : memref<16384x128xf32, #tpu.memory_space<hbm>> -> memref<128x128xf32, #tpu.memory_space<hbm>>
    tpu.enqueue_dma source(%arg10 : memref<128x128xf32, #tpu.memory_space<vmem>>) target(%dma_start3A_66 : memref<128x128xf32, #tpu.memory_space<hbm>>) target_semaphore(%arg24 : memref<!tpu.dma_semaphore, #tpu.memory_space<semaphore_mem>>)
    %add3A_67 = arith.constant 0 : i32
    %add3A_68 = arith.addi %mul3A_2, %add3A_67 : i32
    %dma_wait3A_69 = arith.constant 0 : i32
    %dma_wait3A_70 = tpu.memref_slice %arg6[%add3A_68, %dma_wait3A_69] : memref<16384x128xf32, #tpu.memory_space<hbm>> -> memref<128x128xf32, #tpu.memory_space<hbm>>
    %dma_wait3A_71 = arith.constant 0 : i32
    %dma_wait3A_72 = tpu.memref_slice %arg6[%add3A_68, %dma_wait3A_71] : memref<16384x128xf32, #tpu.memory_space<hbm>> -> memref<128x128xf32, #tpu.memory_space<hbm>>
    tpu.wait_dma2 semaphore(%arg24 : memref<!tpu.dma_semaphore, #tpu.memory_space<semaphore_mem>>) src(%arg10 : memref<128x128xf32, #tpu.memory_space<vmem>>) dst(%dma_wait3A_72 : memref<128x128xf32, #tpu.memory_space<hbm>>)
    %dma_start3A_73 = arith.constant 3 : i32
    %dma_start3A_74 = arith.constant 0 : i32
    %dma_start3A_75 = tpu.memref_slice %arg9[%dma_start3A_73, %dma_start3A_74] : memref<4x128xi32, #tpu.memory_space<vmem>> -> memref<1x128xi32, #tpu.memory_space<vmem>>
    %dma_start3A_76 = tpu.memref_squeeze %dma_start3A_75 : memref<1x128xi32, #tpu.memory_space<vmem>> -> memref<128xi32, #tpu.memory_space<vmem>>
    %dma_start3A_77 = arith.constant 0 : i32
    %dma_start3A_78 = arith.constant 0 : i32
    %dma_start3A_79 = tpu.memref_slice %arg5[%dma_start3A_77, %dma_start3A_78] : memref<100000x128xf32, #tpu.memory_space<hbm>> -> memref<100000x128xf32, #tpu.memory_space<hbm>>
    tpu.enqueue_indirect_dma source(%dma_start3A_79 : memref<100000x128xf32, #tpu.memory_space<hbm>>) target(%arg10 : memref<128x128xf32, #tpu.memory_space<vmem>>) offsets(%dma_start3A_76 : memref<128xi32, #tpu.memory_space<vmem>>) semaphore(%arg17 : memref<!tpu.dma_semaphore, #tpu.memory_space<semaphore_mem>>)
    %dma_wait3A_80 = arith.constant 1 : i32
    %dma_wait3A_81 = arith.constant 0 : i32
    %dma_wait3A_82 = tpu.memref_slice %arg8[%dma_wait3A_80, %dma_wait3A_81] : memref<4x128xi32, #tpu.memory_space<vmem>> -> memref<1x128xi32, #tpu.memory_space<vmem>>
    %dma_wait3A_83 = tpu.memref_squeeze %dma_wait3A_82 : memref<1x128xi32, #tpu.memory_space<vmem>> -> memref<128xi32, #tpu.memory_space<vmem>>
    %dma_wait3A_84 = arith.constant 0 : i32
    %dma_wait3A_85 = arith.constant 0 : i32
    %dma_wait3A_86 = tpu.memref_slice %arg4[%dma_wait3A_84, %dma_wait3A_85] : memref<100000x128xf32, #tpu.memory_space<hbm>> -> memref<100000x128xf32, #tpu.memory_space<hbm>>
    tpu.wait_indirect_dma semaphore(%arg18 : memref<!tpu.dma_semaphore, #tpu.memory_space<semaphore_mem>>) src(%dma_wait3A_86 : memref<100000x128xf32, #tpu.memory_space<hbm>>) dst(%arg11 : memref<128x128xf32, #tpu.memory_space<vmem>>)
    %add3A_87 = arith.constant 128 : i32
    %add3A_88 = arith.addi %mul3A_2, %add3A_87 : i32
    %dma_start3A_89 = arith.constant 0 : i32
    %dma_start3A_90 = tpu.memref_slice %arg6[%add3A_88, %dma_start3A_89] : memref<16384x128xf32, #tpu.memory_space<hbm>> -> memref<128x128xf32, #tpu.memory_space<hbm>>
    %dma_start3A_91 = arith.constant 0 : i32
    %dma_start3A_92 = tpu.memref_slice %arg6[%add3A_88, %dma_start3A_91] : memref<16384x128xf32, #tpu.memory_space<hbm>> -> memref<128x128xf32, #tpu.memory_space<hbm>>
    tpu.enqueue_dma source(%arg11 : memref<128x128xf32, #tpu.memory_space<vmem>>) target(%dma_start3A_92 : memref<128x128xf32, #tpu.memory_space<hbm>>) target_semaphore(%arg25 : memref<!tpu.dma_semaphore, #tpu.memory_space<semaphore_mem>>)
    %dma_wait3A_93 = arith.constant 2 : i32
    %dma_wait3A_94 = arith.constant 0 : i32
    %dma_wait3A_95 = tpu.memref_slice %arg8[%dma_wait3A_93, %dma_wait3A_94] : memref<4x128xi32, #tpu.memory_space<vmem>> -> memref<1x128xi32, #tpu.memory_space<vmem>>
    %dma_wait3A_96 = tpu.memref_squeeze %dma_wait3A_95 : memref<1x128xi32, #tpu.memory_space<vmem>> -> memref<128xi32, #tpu.memory_space<vmem>>
    %dma_wait3A_97 = arith.constant 0 : i32
    %dma_wait3A_98 = arith.constant 0 : i32
    %dma_wait3A_99 = tpu.memref_slice %arg4[%dma_wait3A_97, %dma_wait3A_98] : memref<100000x128xf32, #tpu.memory_space<hbm>> -> memref<100000x128xf32, #tpu.memory_space<hbm>>
    tpu.wait_indirect_dma semaphore(%arg19 : memref<!tpu.dma_semaphore, #tpu.memory_space<semaphore_mem>>) src(%dma_wait3A_99 : memref<100000x128xf32, #tpu.memory_space<hbm>>) dst(%arg12 : memref<128x128xf32, #tpu.memory_space<vmem>>)
    %add3A_100 = arith.constant 256 : i32
    %add3A_101 = arith.addi %mul3A_2, %add3A_100 : i32
    %dma_start3A_102 = arith.constant 0 : i32
    %dma_start3A_103 = tpu.memref_slice %arg6[%add3A_101, %dma_start3A_102] : memref<16384x128xf32, #tpu.memory_space<hbm>> -> memref<128x128xf32, #tpu.memory_space<hbm>>
    %dma_start3A_104 = arith.constant 0 : i32
    %dma_start3A_105 = tpu.memref_slice %arg6[%add3A_101, %dma_start3A_104] : memref<16384x128xf32, #tpu.memory_space<hbm>> -> memref<128x128xf32, #tpu.memory_space<hbm>>
    tpu.enqueue_dma source(%arg12 : memref<128x128xf32, #tpu.memory_space<vmem>>) target(%dma_start3A_105 : memref<128x128xf32, #tpu.memory_space<hbm>>) target_semaphore(%arg26 : memref<!tpu.dma_semaphore, #tpu.memory_space<semaphore_mem>>)
    %dma_wait3A_106 = arith.constant 3 : i32
    %dma_wait3A_107 = arith.constant 0 : i32
    %dma_wait3A_108 = tpu.memref_slice %arg8[%dma_wait3A_106, %dma_wait3A_107] : memref<4x128xi32, #tpu.memory_space<vmem>> -> memref<1x128xi32, #tpu.memory_space<vmem>>
    %dma_wait3A_109 = tpu.memref_squeeze %dma_wait3A_108 : memref<1x128xi32, #tpu.memory_space<vmem>> -> memref<128xi32, #tpu.memory_space<vmem>>
    %dma_wait3A_110 = arith.constant 0 : i32
    %dma_wait3A_111 = arith.constant 0 : i32
    %dma_wait3A_112 = tpu.memref_slice %arg4[%dma_wait3A_110, %dma_wait3A_111] : memref<100000x128xf32, #tpu.memory_space<hbm>> -> memref<100000x128xf32, #tpu.memory_space<hbm>>
    tpu.wait_indirect_dma semaphore(%arg20 : memref<!tpu.dma_semaphore, #tpu.memory_space<semaphore_mem>>) src(%dma_wait3A_112 : memref<100000x128xf32, #tpu.memory_space<hbm>>) dst(%arg13 : memref<128x128xf32, #tpu.memory_space<vmem>>)
    %add3A_113 = arith.constant 384 : i32
    %add3A_114 = arith.addi %mul3A_2, %add3A_113 : i32
    %dma_start3A_115 = arith.constant 0 : i32
    %dma_start3A_116 = tpu.memref_slice %arg6[%add3A_114, %dma_start3A_115] : memref<16384x128xf32, #tpu.memory_space<hbm>> -> memref<128x128xf32, #tpu.memory_space<hbm>>
    %dma_start3A_117 = arith.constant 0 : i32
    %dma_start3A_118 = tpu.memref_slice %arg6[%add3A_114, %dma_start3A_117] : memref<16384x128xf32, #tpu.memory_space<hbm>> -> memref<128x128xf32, #tpu.memory_space<hbm>>
    tpu.enqueue_dma source(%arg13 : memref<128x128xf32, #tpu.memory_space<vmem>>) target(%dma_start3A_118 : memref<128x128xf32, #tpu.memory_space<hbm>>) target_semaphore(%arg27 : memref<!tpu.dma_semaphore, #tpu.memory_space<semaphore_mem>>)
    %dma_wait3A_119 = arith.constant 0 : i32
    %dma_wait3A_120 = arith.constant 0 : i32
    %dma_wait3A_121 = tpu.memref_slice %arg9[%dma_wait3A_119, %dma_wait3A_120] : memref<4x128xi32, #tpu.memory_space<vmem>> -> memref<1x128xi32, #tpu.memory_space<vmem>>
    %dma_wait3A_122 = tpu.memref_squeeze %dma_wait3A_121 : memref<1x128xi32, #tpu.memory_space<vmem>> -> memref<128xi32, #tpu.memory_space<vmem>>
    %dma_wait3A_123 = arith.constant 0 : i32
    %dma_wait3A_124 = arith.constant 0 : i32
    %dma_wait3A_125 = tpu.memref_slice %arg5[%dma_wait3A_123, %dma_wait3A_124] : memref<100000x128xf32, #tpu.memory_space<hbm>> -> memref<100000x128xf32, #tpu.memory_space<hbm>>
    tpu.wait_indirect_dma semaphore(%arg21 : memref<!tpu.dma_semaphore, #tpu.memory_space<semaphore_mem>>) src(%dma_wait3A_125 : memref<100000x128xf32, #tpu.memory_space<hbm>>) dst(%arg14 : memref<128x128xf32, #tpu.memory_space<vmem>>)
    %add3A_126 = arith.constant 0 : i32
    %add3A_127 = arith.addi %mul3A_2, %add3A_126 : i32
    %dma_start3A_128 = arith.constant 0 : i32
    %dma_start3A_129 = tpu.memref_slice %arg7[%add3A_127, %dma_start3A_128] : memref<16384x128xf32, #tpu.memory_space<hbm>> -> memref<128x128xf32, #tpu.memory_space<hbm>>
    %dma_start3A_130 = arith.constant 0 : i32
    %dma_start3A_131 = tpu.memref_slice %arg7[%add3A_127, %dma_start3A_130] : memref<16384x128xf32, #tpu.memory_space<hbm>> -> memref<128x128xf32, #tpu.memory_space<hbm>>
    tpu.enqueue_dma source(%arg14 : memref<128x128xf32, #tpu.memory_space<vmem>>) target(%dma_start3A_131 : memref<128x128xf32, #tpu.memory_space<hbm>>) target_semaphore(%arg28 : memref<!tpu.dma_semaphore, #tpu.memory_space<semaphore_mem>>)
    %dma_wait3A_132 = arith.constant 1 : i32
    %dma_wait3A_133 = arith.constant 0 : i32
    %dma_wait3A_134 = tpu.memref_slice %arg9[%dma_wait3A_132, %dma_wait3A_133] : memref<4x128xi32, #tpu.memory_space<vmem>> -> memref<1x128xi32, #tpu.memory_space<vmem>>
    %dma_wait3A_135 = tpu.memref_squeeze %dma_wait3A_134 : memref<1x128xi32, #tpu.memory_space<vmem>> -> memref<128xi32, #tpu.memory_space<vmem>>
    %dma_wait3A_136 = arith.constant 0 : i32
    %dma_wait3A_137 = arith.constant 0 : i32
    %dma_wait3A_138 = tpu.memref_slice %arg5[%dma_wait3A_136, %dma_wait3A_137] : memref<100000x128xf32, #tpu.memory_space<hbm>> -> memref<100000x128xf32, #tpu.memory_space<hbm>>
    tpu.wait_indirect_dma semaphore(%arg22 : memref<!tpu.dma_semaphore, #tpu.memory_space<semaphore_mem>>) src(%dma_wait3A_138 : memref<100000x128xf32, #tpu.memory_space<hbm>>) dst(%arg15 : memref<128x128xf32, #tpu.memory_space<vmem>>)
    %add3A_139 = arith.constant 128 : i32
    %add3A_140 = arith.addi %mul3A_2, %add3A_139 : i32
    %dma_start3A_141 = arith.constant 0 : i32
    %dma_start3A_142 = tpu.memref_slice %arg7[%add3A_140, %dma_start3A_141] : memref<16384x128xf32, #tpu.memory_space<hbm>> -> memref<128x128xf32, #tpu.memory_space<hbm>>
    %dma_start3A_143 = arith.constant 0 : i32
    %dma_start3A_144 = tpu.memref_slice %arg7[%add3A_140, %dma_start3A_143] : memref<16384x128xf32, #tpu.memory_space<hbm>> -> memref<128x128xf32, #tpu.memory_space<hbm>>
    tpu.enqueue_dma source(%arg15 : memref<128x128xf32, #tpu.memory_space<vmem>>) target(%dma_start3A_144 : memref<128x128xf32, #tpu.memory_space<hbm>>) target_semaphore(%arg29 : memref<!tpu.dma_semaphore, #tpu.memory_space<semaphore_mem>>)
    %dma_wait3A_145 = arith.constant 2 : i32
    %dma_wait3A_146 = arith.constant 0 : i32
    %dma_wait3A_147 = tpu.memref_slice %arg9[%dma_wait3A_145, %dma_wait3A_146] : memref<4x128xi32, #tpu.memory_space<vmem>> -> memref<1x128xi32, #tpu.memory_space<vmem>>
    %dma_wait3A_148 = tpu.memref_squeeze %dma_wait3A_147 : memref<1x128xi32, #tpu.memory_space<vmem>> -> memref<128xi32, #tpu.memory_space<vmem>>
    %dma_wait3A_149 = arith.constant 0 : i32
    %dma_wait3A_150 = arith.constant 0 : i32
    %dma_wait3A_151 = tpu.memref_slice %arg5[%dma_wait3A_149, %dma_wait3A_150] : memref<100000x128xf32, #tpu.memory_space<hbm>> -> memref<100000x128xf32, #tpu.memory_space<hbm>>
    tpu.wait_indirect_dma semaphore(%arg23 : memref<!tpu.dma_semaphore, #tpu.memory_space<semaphore_mem>>) src(%dma_wait3A_151 : memref<100000x128xf32, #tpu.memory_space<hbm>>) dst(%arg16 : memref<128x128xf32, #tpu.memory_space<vmem>>)
    %add3A_152 = arith.constant 256 : i32
    %add3A_153 = arith.addi %mul3A_2, %add3A_152 : i32
    %dma_start3A_154 = arith.constant 0 : i32
    %dma_start3A_155 = tpu.memref_slice %arg7[%add3A_153, %dma_start3A_154] : memref<16384x128xf32, #tpu.memory_space<hbm>> -> memref<128x128xf32, #tpu.memory_space<hbm>>
    %dma_start3A_156 = arith.constant 0 : i32
    %dma_start3A_157 = tpu.memref_slice %arg7[%add3A_153, %dma_start3A_156] : memref<16384x128xf32, #tpu.memory_space<hbm>> -> memref<128x128xf32, #tpu.memory_space<hbm>>
    tpu.enqueue_dma source(%arg16 : memref<128x128xf32, #tpu.memory_space<vmem>>) target(%dma_start3A_157 : memref<128x128xf32, #tpu.memory_space<hbm>>) target_semaphore(%arg30 : memref<!tpu.dma_semaphore, #tpu.memory_space<semaphore_mem>>)
    %dma_wait3A_158 = arith.constant 3 : i32
    %dma_wait3A_159 = arith.constant 0 : i32
    %dma_wait3A_160 = tpu.memref_slice %arg9[%dma_wait3A_158, %dma_wait3A_159] : memref<4x128xi32, #tpu.memory_space<vmem>> -> memref<1x128xi32, #tpu.memory_space<vmem>>
    %dma_wait3A_161 = tpu.memref_squeeze %dma_wait3A_160 : memref<1x128xi32, #tpu.memory_space<vmem>> -> memref<128xi32, #tpu.memory_space<vmem>>
    %dma_wait3A_162 = arith.constant 0 : i32
    %dma_wait3A_163 = arith.constant 0 : i32
    %dma_wait3A_164 = tpu.memref_slice %arg5[%dma_wait3A_162, %dma_wait3A_163] : memref<100000x128xf32, #tpu.memory_space<hbm>> -> memref<100000x128xf32, #tpu.memory_space<hbm>>
    tpu.wait_indirect_dma semaphore(%arg17 : memref<!tpu.dma_semaphore, #tpu.memory_space<semaphore_mem>>) src(%dma_wait3A_164 : memref<100000x128xf32, #tpu.memory_space<hbm>>) dst(%arg10 : memref<128x128xf32, #tpu.memory_space<vmem>>)
    %add3A_165 = arith.constant 384 : i32
    %add3A_166 = arith.addi %mul3A_2, %add3A_165 : i32
    %dma_start3A_167 = arith.constant 0 : i32
    %dma_start3A_168 = tpu.memref_slice %arg7[%add3A_166, %dma_start3A_167] : memref<16384x128xf32, #tpu.memory_space<hbm>> -> memref<128x128xf32, #tpu.memory_space<hbm>>
    %dma_start3A_169 = arith.constant 0 : i32
    %dma_start3A_170 = tpu.memref_slice %arg7[%add3A_166, %dma_start3A_169] : memref<16384x128xf32, #tpu.memory_space<hbm>> -> memref<128x128xf32, #tpu.memory_space<hbm>>
    tpu.enqueue_dma source(%arg10 : memref<128x128xf32, #tpu.memory_space<vmem>>) target(%dma_start3A_170 : memref<128x128xf32, #tpu.memory_space<hbm>>) target_semaphore(%arg24 : memref<!tpu.dma_semaphore, #tpu.memory_space<semaphore_mem>>)
    %add3A_171 = arith.constant 128 : i32
    %add3A_172 = arith.addi %mul3A_2, %add3A_171 : i32
    %dma_wait3A_173 = arith.constant 0 : i32
    %dma_wait3A_174 = tpu.memref_slice %arg6[%add3A_172, %dma_wait3A_173] : memref<16384x128xf32, #tpu.memory_space<hbm>> -> memref<128x128xf32, #tpu.memory_space<hbm>>
    %dma_wait3A_175 = arith.constant 0 : i32
    %dma_wait3A_176 = tpu.memref_slice %arg6[%add3A_172, %dma_wait3A_175] : memref<16384x128xf32, #tpu.memory_space<hbm>> -> memref<128x128xf32, #tpu.memory_space<hbm>>
    tpu.wait_dma2 semaphore(%arg25 : memref<!tpu.dma_semaphore, #tpu.memory_space<semaphore_mem>>) src(%arg11 : memref<128x128xf32, #tpu.memory_space<vmem>>) dst(%dma_wait3A_176 : memref<128x128xf32, #tpu.memory_space<hbm>>)
    %add3A_177 = arith.constant 256 : i32
    %add3A_178 = arith.addi %mul3A_2, %add3A_177 : i32
    %dma_wait3A_179 = arith.constant 0 : i32
    %dma_wait3A_180 = tpu.memref_slice %arg6[%add3A_178, %dma_wait3A_179] : memref<16384x128xf32, #tpu.memory_space<hbm>> -> memref<128x128xf32, #tpu.memory_space<hbm>>
    %dma_wait3A_181 = arith.constant 0 : i32
    %dma_wait3A_182 = tpu.memref_slice %arg6[%add3A_178, %dma_wait3A_181] : memref<16384x128xf32, #tpu.memory_space<hbm>> -> memref<128x128xf32, #tpu.memory_space<hbm>>
    tpu.wait_dma2 semaphore(%arg26 : memref<!tpu.dma_semaphore, #tpu.memory_space<semaphore_mem>>) src(%arg12 : memref<128x128xf32, #tpu.memory_space<vmem>>) dst(%dma_wait3A_182 : memref<128x128xf32, #tpu.memory_space<hbm>>)
    %add3A_183 = arith.constant 384 : i32
    %add3A_184 = arith.addi %mul3A_2, %add3A_183 : i32
    %dma_wait3A_185 = arith.constant 0 : i32
    %dma_wait3A_186 = tpu.memref_slice %arg6[%add3A_184, %dma_wait3A_185] : memref<16384x128xf32, #tpu.memory_space<hbm>> -> memref<128x128xf32, #tpu.memory_space<hbm>>
    %dma_wait3A_187 = arith.constant 0 : i32
    %dma_wait3A_188 = tpu.memref_slice %arg6[%add3A_184, %dma_wait3A_187] : memref<16384x128xf32, #tpu.memory_space<hbm>> -> memref<128x128xf32, #tpu.memory_space<hbm>>
    tpu.wait_dma2 semaphore(%arg27 : memref<!tpu.dma_semaphore, #tpu.memory_space<semaphore_mem>>) src(%arg13 : memref<128x128xf32, #tpu.memory_space<vmem>>) dst(%dma_wait3A_188 : memref<128x128xf32, #tpu.memory_space<hbm>>)
    %add3A_189 = arith.constant 0 : i32
    %add3A_190 = arith.addi %mul3A_2, %add3A_189 : i32
    %dma_wait3A_191 = arith.constant 0 : i32
    %dma_wait3A_192 = tpu.memref_slice %arg7[%add3A_190, %dma_wait3A_191] : memref<16384x128xf32, #tpu.memory_space<hbm>> -> memref<128x128xf32, #tpu.memory_space<hbm>>
    %dma_wait3A_193 = arith.constant 0 : i32
    %dma_wait3A_194 = tpu.memref_slice %arg7[%add3A_190, %dma_wait3A_193] : memref<16384x128xf32, #tpu.memory_space<hbm>> -> memref<128x128xf32, #tpu.memory_space<hbm>>
    tpu.wait_dma2 semaphore(%arg28 : memref<!tpu.dma_semaphore, #tpu.memory_space<semaphore_mem>>) src(%arg14 : memref<128x128xf32, #tpu.memory_space<vmem>>) dst(%dma_wait3A_194 : memref<128x128xf32, #tpu.memory_space<hbm>>)
    %add3A_195 = arith.constant 128 : i32
    %add3A_196 = arith.addi %mul3A_2, %add3A_195 : i32
    %dma_wait3A_197 = arith.constant 0 : i32
    %dma_wait3A_198 = tpu.memref_slice %arg7[%add3A_196, %dma_wait3A_197] : memref<16384x128xf32, #tpu.memory_space<hbm>> -> memref<128x128xf32, #tpu.memory_space<hbm>>
    %dma_wait3A_199 = arith.constant 0 : i32
    %dma_wait3A_200 = tpu.memref_slice %arg7[%add3A_196, %dma_wait3A_199] : memref<16384x128xf32, #tpu.memory_space<hbm>> -> memref<128x128xf32, #tpu.memory_space<hbm>>
    tpu.wait_dma2 semaphore(%arg29 : memref<!tpu.dma_semaphore, #tpu.memory_space<semaphore_mem>>) src(%arg15 : memref<128x128xf32, #tpu.memory_space<vmem>>) dst(%dma_wait3A_200 : memref<128x128xf32, #tpu.memory_space<hbm>>)
    %add3A_201 = arith.constant 256 : i32
    %add3A_202 = arith.addi %mul3A_2, %add3A_201 : i32
    %dma_wait3A_203 = arith.constant 0 : i32
    %dma_wait3A_204 = tpu.memref_slice %arg7[%add3A_202, %dma_wait3A_203] : memref<16384x128xf32, #tpu.memory_space<hbm>> -> memref<128x128xf32, #tpu.memory_space<hbm>>
    %dma_wait3A_205 = arith.constant 0 : i32
    %dma_wait3A_206 = tpu.memref_slice %arg7[%add3A_202, %dma_wait3A_205] : memref<16384x128xf32, #tpu.memory_space<hbm>> -> memref<128x128xf32, #tpu.memory_space<hbm>>
    tpu.wait_dma2 semaphore(%arg30 : memref<!tpu.dma_semaphore, #tpu.memory_space<semaphore_mem>>) src(%arg16 : memref<128x128xf32, #tpu.memory_space<vmem>>) dst(%dma_wait3A_206 : memref<128x128xf32, #tpu.memory_space<hbm>>)
    %add3A_207 = arith.constant 384 : i32
    %add3A_208 = arith.addi %mul3A_2, %add3A_207 : i32
    %dma_wait3A_209 = arith.constant 0 : i32
    %dma_wait3A_210 = tpu.memref_slice %arg7[%add3A_208, %dma_wait3A_209] : memref<16384x128xf32, #tpu.memory_space<hbm>> -> memref<128x128xf32, #tpu.memory_space<hbm>>
    %dma_wait3A_211 = arith.constant 0 : i32
    %dma_wait3A_212 = tpu.memref_slice %arg7[%add3A_208, %dma_wait3A_211] : memref<16384x128xf32, #tpu.memory_space<hbm>> -> memref<128x128xf32, #tpu.memory_space<hbm>>
    tpu.wait_dma2 semaphore(%arg24 : memref<!tpu.dma_semaphore, #tpu.memory_space<semaphore_mem>>) src(%arg10 : memref<128x128xf32, #tpu.memory_space<vmem>>) dst(%dma_wait3A_212 : memref<128x128xf32, #tpu.memory_space<hbm>>)
    return
  }
}

module attributes {stable_mosaic.version = 14 : i64} {
  func.func @_mlp_body(%arg0: i32, %arg1: memref<4096x128xf32, #tpu.memory_space<vmem>>, %arg2: memref<4096x128xf32, #tpu.memory_space<vmem>>, %arg3: memref<256x16xf32, #tpu.memory_space<vmem>>, %arg4: memref<1x16xf32, #tpu.memory_space<vmem>>, %arg5: memref<16x1xf32, #tpu.memory_space<vmem>>, %arg6: memref<1x1xf32, #tpu.memory_space<vmem>>, %arg7: memref<4096xf32, #tpu.memory_space<vmem>>) attributes {dimension_semantics = [#tpu.dimension_semantics<arbitrary>], iteration_bounds = array<i64: 4>, scalar_prefetch = 0 : i64, scratch_operands = 0 : i64, tpu.core_type = #tpu.core_type<tc>, window_params = [{transform_indices = @transform_0, window_bounds = array<i64: 4096, 128>}, {transform_indices = @transform_1, window_bounds = array<i64: 4096, 128>}, {pipeline_mode = #tpu.pipeline_mode<synchronous>, transform_indices = @transform_2, window_bounds = array<i64: 256, 16>}, {pipeline_mode = #tpu.pipeline_mode<synchronous>, transform_indices = @transform_3, window_bounds = array<i64: 1, 16>}, {pipeline_mode = #tpu.pipeline_mode<synchronous>, transform_indices = @transform_4, window_bounds = array<i64: 16, 1>}, {pipeline_mode = #tpu.pipeline_mode<synchronous>, transform_indices = @transform_5, window_bounds = array<i64: 1, 1>}, {transform_indices = @transform_6, window_bounds = array<i64: 4096>}]} {
    %get3A = arith.constant 0 : index
    %get3A_0 = arith.constant 0 : index
    %get3A_1 = vector.load %arg1[%get3A, %get3A_0] : memref<4096x128xf32, #tpu.memory_space<vmem>>, vector<4096x128xf32>
    %get3A_2 = arith.constant 0 : index
    %get3A_3 = arith.constant 0 : index
    %get3A_4 = vector.load %arg3[%get3A_2, %get3A_3] : memref<256x16xf32, #tpu.memory_space<vmem>>, vector<128x16xf32>
    %dot_general3A = arith.constant dense<0.000000e+00> : vector<4096x16xf32>
    %dot_general3A_5 = tpu.matmul %get3A_1, %get3A_4, %dot_general3A {dimension_numbers = #tpu.dot_dimension_numbers<[1], [0], [0], [1], [0, 0, 1, 1], [], []>, transpose_lhs_hint = false} : vector<4096x128xf32>, vector<128x16xf32>, vector<4096x16xf32> -> vector<4096x16xf32>
    %get3A_6 = arith.constant 0 : index
    %get3A_7 = arith.constant 0 : index
    %get3A_8 = vector.load %arg2[%get3A_6, %get3A_7] : memref<4096x128xf32, #tpu.memory_space<vmem>>, vector<4096x128xf32>
    %get3A_9 = arith.constant 128 : index
    %get3A_10 = arith.constant 0 : index
    %get3A_11 = vector.load %arg3[%get3A_9, %get3A_10] : memref<256x16xf32, #tpu.memory_space<vmem>>, vector<128x16xf32>
    %dot_general3A_12 = arith.constant dense<0.000000e+00> : vector<4096x16xf32>
    %dot_general3A_13 = tpu.matmul %get3A_8, %get3A_11, %dot_general3A_12 {dimension_numbers = #tpu.dot_dimension_numbers<[1], [0], [0], [1], [0, 0, 1, 1], [], []>, transpose_lhs_hint = false} : vector<4096x128xf32>, vector<128x16xf32>, vector<4096x16xf32> -> vector<4096x16xf32>
    %add3A = arith.addf %dot_general3A_5, %dot_general3A_13 : vector<4096x16xf32>
    %get3A_14 = arith.constant 0 : index
    %get3A_15 = arith.constant 0 : index
    %get3A_16 = vector.load %arg4[%get3A_14, %get3A_15] : memref<1x16xf32, #tpu.memory_space<vmem>>, vector<1x16xf32>
    %add3A_17 = vector.broadcast %get3A_16 : vector<1x16xf32> to vector<4096x16xf32>
    %add3A_18 = arith.addf %add3A, %add3A_17 : vector<4096x16xf32>
    %max3A = arith.constant 0.000000e+00 : f32
    %max3A_19 = vector.broadcast %max3A : f32 to vector<4096x16xf32>
    %max3A_20 = arith.maximumf %add3A_18, %max3A_19 : vector<4096x16xf32>
    %get3A_21 = arith.constant 0 : index
    %get3A_22 = arith.constant 0 : index
    %get3A_23 = vector.load %arg5[%get3A_21, %get3A_22] : memref<16x1xf32, #tpu.memory_space<vmem>>, vector<16x1xf32>
    %dot_general3A_24 = arith.constant dense<0.000000e+00> : vector<4096x1xf32>
    %dot_general3A_25 = tpu.matmul %max3A_20, %get3A_23, %dot_general3A_24 {dimension_numbers = #tpu.dot_dimension_numbers<[1], [0], [0], [1], [0, 0, 1, 1], [], []>, transpose_lhs_hint = false} : vector<4096x16xf32>, vector<16x1xf32>, vector<4096x1xf32> -> vector<4096x1xf32>
    %get3A_26 = arith.constant 0 : index
    %get3A_27 = arith.constant 0 : index
    %get3A_28 = vector.load %arg6[%get3A_26, %get3A_27] : memref<1x1xf32, #tpu.memory_space<vmem>>, vector<1x1xf32>
    %add3A_29 = vector.broadcast %get3A_28 : vector<1x1xf32> to vector<4096x1xf32>
    %add3A_30 = arith.addf %dot_general3A_25, %add3A_29 : vector<4096x1xf32>
    %reshape3A = vector.shape_cast %add3A_30 : vector<4096x1xf32> to vector<4096xf32>
    %swap3A = arith.constant 0 : index
    %swap3A_31 = vector.load %arg7[%swap3A] : memref<4096xf32, #tpu.memory_space<vmem>>, vector<4096xf32>
    tpu.vector_store %arg7[%swap3A], %reshape3A {strides = array<i32>} : memref<4096xf32, #tpu.memory_space<vmem>>, vector<4096xf32>,
    return
  }
  func.func @transform_0(%arg0: i32) -> (i32, i32) {
    %c0_i32 = arith.constant 0 : i32
    %c0_i32_0 = arith.constant 0 : i32
    return %arg0, %c0_i32 : i32, i32
  }
  func.func @transform_1(%arg0: i32) -> (i32, i32) {
    %c0_i32 = arith.constant 0 : i32
    %c0_i32_0 = arith.constant 0 : i32
    return %arg0, %c0_i32 : i32, i32
  }
  func.func @transform_2(%arg0: i32) -> (i32, i32) {
    %c0_i32 = arith.constant 0 : i32
    %c0_i32_0 = arith.constant 0 : i32
    %c0_i32_1 = arith.constant 0 : i32
    return %c0_i32, %c0_i32_0 : i32, i32
  }
  func.func @transform_3(%arg0: i32) -> (i32, i32) {
    %c0_i32 = arith.constant 0 : i32
    %c0_i32_0 = arith.constant 0 : i32
    %c0_i32_1 = arith.constant 0 : i32
    return %c0_i32, %c0_i32_0 : i32, i32
  }
  func.func @transform_4(%arg0: i32) -> (i32, i32) {
    %c0_i32 = arith.constant 0 : i32
    %c0_i32_0 = arith.constant 0 : i32
    %c0_i32_1 = arith.constant 0 : i32
    return %c0_i32, %c0_i32_0 : i32, i32
  }
  func.func @transform_5(%arg0: i32) -> (i32, i32) {
    %c0_i32 = arith.constant 0 : i32
    %c0_i32_0 = arith.constant 0 : i32
    %c0_i32_1 = arith.constant 0 : i32
    return %c0_i32, %c0_i32_0 : i32, i32
  }
  func.func @transform_6(%arg0: i32) -> i32 {
    %c0_i32 = arith.constant 0 : i32
    return %arg0 : i32
  }
}

</mosaic_0001>

<sc_bundles>
// kernel: kernel.4.cloned.1.call-start
scs
__scs_entry_jumppad:
0x0: {  	(pc) =	sbr.rel $0x88, $3  }
0x1: {  	(tag) =	ssettag $0x0;
	lr =	simm.s32 $0x1  }
0x2: {  	[smem:$0x3F9A] =	sst lr;
	_ =	strace $0xD0000000  }
0x3: {  	_ = 	snop  }
0x4: {  	_ = 	snop  }
0x5: {  	_ = 	snop  }
0x6: {  	_ = 	snop  }
0x7: {  	_ = 	snop  }
__scs_overlays_trampoline_lowered:
0x8: {  	[smem:$0x3FA9] =	sst s0  }
0x9: {  	[smem:$0x3FAA] =	sst s1  }
0xa: {  	[smem:$0x3FAB] =	sst s2  }
0xb: {  	[smem:$0x3FAC] =	sst s3  }
0xc: {  	[smem:$0x3FAD] =	sst s4  }
0xd: {  	[smem:$0x3FAE] =	sst s5  }
0xe: {  	[smem:$0x3FAF] =	sst s6  }
0xf: {  	[smem:$0x3FB0] =	sst s7  }
0x10: {  	[smem:$0x3FB1] =	sst s8  }
0x11: {  	[smem:$0x3FB2] =	sst s9;
	s0 =	simm.s32 @!p0 $0x0  }
0x12: {  	s1 =	sld [smem:$0x3F98];
	s0 =	simm.s32 @p0 $0x1  }
0x13: {  	[smem:$0x3FB3] =	sst s0;
	s0 =	simm.s32 @!p1 $0x0  }
0x14: {  	s2 =	sld [smem:$0x3F97];
	s0 =	simm.s32 @p1 $0x1  }
0x15: {  	[smem:$0x3FB4] =	sst s0;
	s0 =	simm.s32 @!p2 $0x0  }
0x16: {  	s3 =	sld [smem:$0x3FDB];
	s0 =	simm.s32 @p2 $0x1  }
0x17: {  	s4 =	simm.s32 $0x1BF5;
	[smem:$0x3FB6] =	sst s0  }
0x18: {  	s0 =	sld [smem:$0x3F99];
	_ =	swait.ge [sflag:s4], $0x0  }
0x19: {  	s7 =	sld [smem:$0x3F9A]  }
0x1a: {  	s8 =	sadd.s32 $0xFFFFE003, lr  }
0x1b: {  	s9 =	sadd.s32 $0xFFFFFEF7, lr;
	s5 =	simm.s32 $0xFFFFFFFF;
	p2 =	slt.u32 s8, $0xFFFFF086  }
0x1c: {  	p1 =	slt.u32 s9, $0xF7A;
	s5 =	simm.s32 @!p2 $0x0  }
0x1d: {  	s5 =	simm.s32 @p1 $0x1;
	p0 =	seq.s32 s7, s2  }
0x1e: {  	s7 =	smul.u32 @!p0 $0xF7A, s2;
	p2 =	seq.s32 @!p0 s5, $0x0  }
0x1f: {  	s9 =	smul.u32 $0xF7A, s1;
	s8 =	simm.s32 @!p0 $0x1BF5;
	p2 =	por !p2, p0  }
0x20: {  	[sflag:s8] =	ssyncset.s32 @!p0 $0xFFFFF086;
	s6 =	sadd.s32 @!p0 s3, s7;
	s7 =	simm.s32 @!p0 $0x108  }
0x21: {  	s3 =	sadd.s32 s3, s9;
	s6 =	sadd.s32 @!p0 $0x88, s6;
	s7 =	simm.s32 @p2 $0x1082  }
0x22: {  	[simem:s7], [sflag:s8] =	dma.local @!p0 [hbm:s6], $0xF7A  }
0x23: {  	s9 =	sor.u32 $0xD0000000, s2;
	s6 =	simm.s32 $0x108;
	_ =	swait.ge @!p0 [sflag:s8], $0x0  }
0x24: {  	s3 =	sadd.s32 $0x88, s3;
	s6 =	simm.s32 @!p1 $0x1082;
	[sflag:s4] =	ssyncset.s32 $0xFFFFF086  }
0x25: {  	[simem:s6], [sflag:s4] =	dma.local [hbm:s3], $0xF7A  }
0x26: {  	[smem:$0x3F9A] =	sst s1;
	(tag) =	ssettag s2;
	_ =	strace s9  }
0x27: {  	s1 =	sld [smem:$0x3FAA]  }
0x28: {  	s2 =	sld [smem:$0x3FAB]  }
0x29: {  	s4 =	sld [smem:$0x3FAD]  }
0x2a: {  	p0 =	seq.s32 s5, $0x0;
	s5 =	sld [smem:$0x3FAE]  }
0x2b: {  	s6 =	sld [smem:$0x3FAF]  }
0x2c: {  	s7 =	sld [smem:$0x3FB0]  }
0x2d: {  	s3 =	simm.s32 $0x108;
	s8 =	sld [smem:$0x3FB1]  }
0x2e: {  	s3 =	simm.s32 @!p0 $0x1082;
	s9 =	sld [smem:$0x3FB2]  }
0x2f: {  	lr =	sadd.s32 s0, s3;
	s0 =	sld [smem:$0x3FA9]  }
0x30: {  	s3 =	sld [smem:$0x3FAC]  }
0x31: {  	[smem:$0x3FB5] =	sst s10  }
0x32: {  	s10 =	sld [smem:$0x3FB3];
	_ =	sdelay $0x3  }
0x33: {  	p0 =	seq.s32 s10, $0x1;
	s10 =	sld [smem:$0x3FB5];
	_ =	sdelay $0x3  }
0x34: {  	[smem:$0x3FB5] =	sst s10  }
0x35: {  	s10 =	sld [smem:$0x3FB4];
	_ =	sdelay $0x3  }
0x36: {  	p1 =	seq.s32 s10, $0x1;
	s10 =	sld [smem:$0x3FB5];
	_ =	sdelay $0x3  }
0x37: {  	[smem:$0x3FB5] =	sst s10  }
0x38: {  	s10 =	sld [smem:$0x3FB6]  }
0x39: {  	_ = 	snop;
	(pc) =	sbr.ind lr, $3  }
0x3a: {  	_ = 	snop  }
0x3b: {  	_ = 	snop  }
0x3c: {  	p2 =	seq.s32 s10, $0x1;
	s10 =	sld [smem:$0x3FB5]  }
0x3d: {  	_ =	shalt  }
0x3e: {  	_ =	shalt  }
0x3f: {  	_ =	shalt  }
0x40: {  	_ =	shalt  }
0x41: {  	_ =	shalt  }
0x42: {  	_ =	shalt  }
0x43: {  	_ =	shalt  }
0x44: {  	_ =	shalt  }
0x45: {  	_ =	shalt  }
0x46: {  	_ =	shalt  }
0x47: {  	_ =	shalt  }
0x48: {  	_ =	shalt  }
0x49: {  	_ =	shalt  }
0x4a: {  	_ =	shalt  }
0x4b: {  	_ =	shalt  }
0x4c: {  	_ =	shalt  }
0x4d: {  	_ =	shalt  }
0x4e: {  	_ =	shalt  }
0x4f: {  	_ =	shalt  }
0x50: {  	_ =	shalt  }
0x51: {  	_ =	shalt  }
0x52: {  	_ =	shalt  }
0x53: {  	_ =	shalt  }
0x54: {  	_ =	shalt  }
0x55: {  	_ =	shalt  }
0x56: {  	_ =	shalt  }
0x57: {  	_ =	shalt  }
0x58: {  	_ =	shalt  }
0x59: {  	_ =	shalt  }
0x5a: {  	_ =	shalt  }
0x5b: {  	_ =	shalt  }
0x5c: {  	_ =	shalt  }
0x5d: {  	_ =	shalt  }
0x5e: {  	_ =	shalt  }
0x5f: {  	_ =	shalt  }
0x60: {  	_ =	shalt  }
0x61: {  	_ =	shalt  }
0x62: {  	_ =	shalt  }
0x63: {  	_ =	shalt  }
0x64: {  	_ =	shalt  }
0x65: {  	_ =	shalt  }
0x66: {  	_ =	shalt  }
0x67: {  	_ =	shalt  }
0x68: {  	_ =	shalt  }
0x69: {  	_ =	shalt  }
0x6a: {  	_ =	shalt  }
0x6b: {  	_ =	shalt  }
0x6c: {  	_ =	shalt  }
0x6d: {  	_ =	shalt  }
0x6e: {  	_ =	shalt  }
0x6f: {  	_ =	shalt  }
0x70: {  	_ =	shalt  }
0x71: {  	_ =	shalt  }
0x72: {  	_ =	shalt  }
0x73: {  	_ =	shalt  }
0x74: {  	_ =	shalt  }
0x75: {  	_ =	shalt  }
0x76: {  	_ =	shalt  }
0x77: {  	_ =	shalt  }
0x78: {  	_ =	shalt  }
0x79: {  	_ =	shalt  }
0x7a: {  	_ =	shalt  }
0x7b: {  	_ =	shalt  }
0x7c: {  	_ =	shalt  }
0x7d: {  	_ =	shalt  }
0x7e: {  	_ =	shalt  }
0x7f: {  	_ =	shalt  }
0x80: {  	_ =	shalt  }
0x81: {  	_ =	shalt  }
0x82: {  	_ =	shalt  }
0x83: {  	_ =	shalt  }
0x84: {  	_ =	shalt  }
0x85: {  	_ =	shalt  }
0x86: {  	_ =	shalt  }
0x87: {  	_ =	shalt  }
.Lfunc_end0:
.L_simem_size_0:
called_computation_lowered:
.L_overlay_start_0:
0x88: {  	s2 =	sld [smem:$0x3FD9]  }
0x89: {  	s3 =	sld [smem:$0x3FFE];
	_ =	sdelay $0x1  }
0x8a: {  	s1 =	srdreg.scid  }
0x8b: {  	s0 =	sand.u32 $0x1, s1  }
0x8c: {  	s17 =	sshll.u32 s0, $0xA;
	s2 =	sadd.s32 s3, s2  }
0x8d: {  	s2 =	sadd.s32 s2, s17  }
0x8e: {  	[smem:$0x3FC1] =	sst s2  }
0x8f: {  	_ = 	snop  }
0x90: {  	s2 =	sld [smem:$0x3FC8]  }
0x91: {  	s18 =	sld [smem:$0x3FC7]  }
0x92: {  	s4 =	sld [smem:$0x3FD0];
	(tm) =	ssettm $0x1  }
0x93: {  	s5 =	sld [smem:$0x3FFB];
	_ =	sdelay $0x3  }
0x94: {  	_ =	strace s5  }
0x95: {  	s5 =	sld [smem:$0x3FFC];
	_ =	sdelay $0x3  }
0x96: {  	_ =	strace s5  }
0x97: {  	s5 =	sld [smem:$0x3FFD];
	_ =	sdelay $0x3  }
0x98: {  	_ =	strace s5  }
0x99: {  	_ =	strace $0x8FFFFFFF  }
0x9a: {  	s19 =	sld [smem:$0x3FDB];
	_ =	sdelay $0x1  }
0x9b: {  	s6 =	simm.s32 $_scs_section_size  }
0x9c: {  	s7 =	simm.s32 $_size__tile_overlayer_lowered;
	s8 =	simm.s32 $_tile_overlayer_lowered  }
0x9d: {  	s22 =	simm.s32 $0x1BFF;
	s21 =	sshll.u32 s8, $0x1;
	s5 =	sadd.s32 s6, s19  }
0x9e: {  	s9 =	simm.s32 $0x0;
	s20 =	sshll.u32 s7, $0x1;
	s7 =	sadd.s32 s21, s5  }
0x9f: {  	[timem:s9], [sflag:s22] =	dma.local [hbm:s7], s20  }
0xa0: {  	_ =	swait.ge [sflag:s22], s20  }
0xa1: {  	s6 =	ssub.s32 $0x0, s20;
	[sflag:s22] =	ssyncset.done $0x0  }
0xa2: {  	[sflag:s22] =	ssyncadd.s32 s6;
	_ =	sdelay $0x1  }
0xa3: {  	s23 =	simm.s32 $0x1B8B  }
0xa4: {  	_ =	swait.ge [sflag:s23], $0x1  }
0xa5: {  	[sflag:s23] =	ssyncset.done $0x0  }
0xa6: {  	s25 =	simm.s32 $0x1B8E;
	s24 =	sld [smem:$0x3FFE];
	[sflag:s23] =	ssyncadd.s32 $0xFFFFFFFF  }
0xa7: {  	s26 =	simm.s32 $execute0_lowered;
	[smem:$0x3FD2] =	sst s25  }
0xa8: {  	s7 =	sshll.u32 s26, $0x1;
	_ =	strace $0x80000046;
	[dreg:$0x1] =	wrdreg $0xFFFFFFFF  }
0xa9: {  	s28 =	simm.s32 $_size_execute0_lowered;
	s5 =	sadd.s32 s5, s7;
	[dreg:$0x0] =	wrdreg $0x0  }
0xaa: {  	s7 =	sshll.u32 s28, $0x1;
	[dreg:$0x2] =	wrdreg s5  }
0xab: {  	[dreg:$0x3] =	wrdreg s7  }
0xac: {  	[dreg:$0x4] =	wrdreg $0xC0  }
0xad: {  	_ =	task [dreg:s9], $0x5FFFF  }
0xae: {  	[dreg:$0x1] =	wrdreg $0xFFFFFFFF  }
0xaf: {  	[dreg:$0x0] =	wrdreg $0x60  }
0xb0: {  	[dreg:$0x2] =	wrdreg s24  }
0xb1: {  	[dreg:$0x3] =	wrdreg s4  }
0xb2: {  	[dreg:$0x4] =	wrdreg s2  }
0xb3: {  	[dreg:$0x5] =	wrdreg s18  }
0xb4: {  	[dreg:$0x6] =	wrdreg $0x9  }
0xb5: {  	_ =	task.clear_ibuf [dreg:s9], $0x7FFFF;
	_ =	strace $0x90000046  }
0xb6: {  	s29 =	simm.s32 $0x9;
	_ =	strace $0x80000048  }
0xb7: {  	_ =	swait.ge [sflag:s29], $0x1  }
0xb8: {  	[sflag:s29] =	ssyncadd.s32 $0xFFFFFFFF  }
0xb9: {  	_ =	strace $0x90000048  }
0xba: {  	_ =	sfence  }
0xbb: {  	s30 =	sld [smem:$0x0];
	_ =	sdelay $0x2  }
0xbc: {  	s31 =	sshll.u32 s1, $0xD;
	s1 =	sshrl.u32 s1, $0x2  }
0xbd: {  	s3 =	sand.u32 $0x4000, s31;
	s1 =	sadd.s32 s1, s30  }
0xbe: {  	s0 =	sor.u32 s3, s0;
	s1 =	sshll.u32 s1, $0x11  }
0xbf: {  	s0 =	sor.u32 s1, s0  }
0xc0: {  	s0 =	sadd.s32 $0x8F2B, s0  }
0xc1: {  	[sflag:s0] =	ssyncadd.remote.s32 $0x1  }
0xc2: {  	_ =	sfence.sel $0xFFFF  }
0xc3: {  	[dreg:$0x0] =	wrdreg $0xFFFFFFFF;
	(pc) =	sbr.abs _section_cstart, $3  }
0xc4: {  	[dreg:$0x1] =	wrdreg $0xFFFFFFFF  }
0xc5: {  	_ =	task.clear_ibuf [dreg:s9], $0x2FFFF;
	_ =	strace $0x9FFFFFFF  }
0xc6: {  	(tm) =	ssettm $0x7FFFFFFF  }
0xc7: {  	_ =	shalt  }
tec
execute0_lowered:
.L_overlay_start_1:
0x0: {  	(tag) =	ssettag $0x1  }
0x1: {  	s0 =	rddreg [dreg:$0x0]  }
0x2: {  	s1 =	rddreg [dreg:$0x1]  }
0x3: {  	s5 =	rddreg [dreg:$0x2]  }
0x4: {  	s3 =	rddreg [dreg:$0x3];
	s2 =	srdreg.scid  }
0x5: {  	s30 =	rddreg [dreg:$0x4];
	s9 =	stileid.u32;
	s29 =	simm.s32 $0xF  }
0x6: {  	s20 =	simm.s32 $0x4400;
	s19 =	simm.s32 $0x8400;
	s17 =	simm.s32 $0xC400  }
0x7: {  	s16 =	simm.s32 $0x10400;
	s31 =	simm.s32 $0x380;
	s28 =	simm.s32 $0x2  }
0x8: {  	s21 =	simm.s32 $0x6;
	s18 =	simm.s32 $0x7;
	p0 =	por $0x0, $0x0  }
0x9: {  	s4 =	sand.u32 $0x1, s2;
	s2 =	simm.s32 $0x0;
	s6 =	sshll.u32 s9, $0x7  }
0xa: {  	s8 =	sadd.s32 $0x1C00, s0;
	s9 =	sshll.u32 s9, $0xE;
	s7 =	sshll.u32 s4, $0x6  }
0xb: {  	[smem:$0x7FF] =	sst s2;
	s10 =	sshll.u32 s4, $0xD;
	s4 =	ssub.s32 $0x2, s4  }
0xc: {  	s6 =	sor.u32 s7, s6;
	_ =	strace $0x80000047;
	s22 =	sor.u32 s10, s9  }
0xd: {  	s13 =	sshrl.u32 s4, $0x1;
	s7 =	sadd.s32 s6, s0;
	s1 =	sadd.s32 s1, s6  }
0xe: {  	s23 =	sadd.s32 s8, s22;
	s24 =	sor.u32 $0x800, s22;
	s9 =	sor.u32 $0x1000, s22  }
0xf: {  	s10 =	sor.u32 $0x1800, s22;
	s0 =	sadd.s32 $0x41C00, s0;
	[dreg:$0x6] =	wrdreg s1  }
0x10: {  	s4 =	ssub.s32 s4, s13;
	s7 =	sadd.s32 $0x1400, s7;
	[dreg:$0x7] =	wrdreg s23  }
0x11: {  	s6 =	simm.s32 $0x400;
	s25 =	sadd.s32 s8, s24;
	[dreg:$0x5] =	wrdreg s7  }
0x12: {  	s13 =	simm.s32 $0x14400;
	s26 =	sadd.s32 s8, s9;
	[dreg:$0x8] =	wrdreg s25  }
0x13: {  	s8 =	sadd.s32 s8, s10;
	s11 =	sadd.s32 s0, s22;
	[dreg:$0x9] =	wrdreg s26  }
0x14: {  	s12 =	sadd.s32 s0, s24;
	s14 =	sadd.s32 s0, s9;
	[dreg:$0xa] =	wrdreg s8  }
0x15: {  	s0 =	sadd.s32 s0, s10;
	s15 =	smax.u32 s4, $0x1;
	[dreg:$0xb] =	wrdreg s11  }
0x16: {  	s22 =	simm.s32 $0x80;
	s23 =	simm.s32 $0x100;
	[dreg:$0xc] =	wrdreg s12  }
0x17: {  	s24 =	simm.s32 $0x180;
	s4 =	simm.s32 $0x8;
	[dreg:$0xd] =	wrdreg s14  }
0x18: {  	s10 =	simm.s32 $0xC;
	s9 =	simm.s32 $0xD;
	[dreg:$0xe] =	wrdreg s0  }
0x19: {  	s25 =	simm.s32 $0x200;
	[dreg:$0xf] =	wrdreg s23;
	p1 =	sne.s32 s15, $0x1  }
.Ltmp0:
0x1a: {  	[dreg:$0x10] =	wrdreg s24;
	s26 =	simm.s32 $0x280;
	(pc) =	sbr.rel @!p1 .LBB2_1-.Ltmp0, $4  }
0x1b: {  	s11 =	simm.s32 $0x18400;
	s8 =	simm.s32 $0x1;
	s24 =	simm.s32 $0x4  }
0x1c: {  	s23 =	simm.s32 $0x5;
	s0 =	sadd.s32 $0xFFFFFFFF, s15;
	s15 =	simm.s32 $0x9  }
0x1d: {  	s14 =	simm.s32 $0xA;
	s12 =	simm.s32 $0xB;
	[dreg:$0x11] =	wrdreg s26  }
0x1e: {  	s7 =	simm.s32 $0xE;
	s26 =	simm.s32 $0x3;
	s1 =	rddreg [dreg:$0x5]  }
0x1f: {  	[tilespmem:s2], [sflag:$0xF] =	stream.linear.gather [hbm4b:s1+s2], $0x200, $0x38;
	[tilespmem:$0x1C400] =	vst v63  }
0x20: {  	_ =	swait.ge [sflag:s29], $0x200  }
0x21: {  	[sflag:s29] =	ssyncset.done $0x0  }
0x22: {  	s30 =	rddreg [dreg:$0x6];
	[sflag:s29] =	ssyncadd.s32 $0xFFFFFE00  }
0x23: {  	[tilespmem:s25], [sflag:$0xF] =	stream.linear.gather [hbm4b:s30+s2], $0x200, $0x38;
	[tilespmem:$0x1C400] =	vst v63  }
0x24: {  	_ =	swait.ge [sflag:s29], $0x200  }
0x25: {  	[sflag:s29] =	ssyncset.done $0x0  }
0x26: {  	[sflag:s29] =	ssyncadd.s32 $0xFFFFFE00  }
0x27: {  	[tilespmem:s6], [sflag:$0x1] =	stream.indirect.gather [hbm4b:s5+s22], $0x80, s2, s22, $0xb8;
	[tilespmem:$0x1C400] =	vst v63  }
0x28: {  	_ = 	snop  }
0x29: {  	[tilespmem:s20], [sflag:$0x2] =	stream.indirect.gather [hbm4b:s5+s22], $0x80, s22, s22, $0xb8;
	[tilespmem:$0x1C400] =	vst v63  }
0x2a: {  	s1 =	rddreg [dreg:$0xf]  }
0x2b: {  	[tilespmem:s19], [sflag:$0x3] =	stream.indirect.gather [hbm4b:s5+s22], $0x80, s1, s22, $0xb8;
	[tilespmem:$0x1C400] =	vst v63  }
0x2c: {  	s30 =	smov.u32 s0;
	s0 =	rddreg [dreg:$0x10]  }
0x2d: {  	[tilespmem:s17], [sflag:$0x4] =	stream.indirect.gather [hbm4b:s5+s22], $0x80, s0, s22, $0xb8;
	[tilespmem:$0x1C400] =	vst v63  }
0x2e: {  	_ = 	snop  }
0x2f: {  	[tilespmem:s16], [sflag:$0x5] =	stream.indirect.gather [hbm4b:s3+s22], $0x80, s25, s22, $0xb8;
	[tilespmem:$0x1C400] =	vst v63  }
0x30: {  	s1 =	rddreg [dreg:$0x11]  }
0x31: {  	[tilespmem:s13], [sflag:$0x6] =	stream.indirect.gather [hbm4b:s3+s22], $0x80, s1, s22, $0xb8;
	[tilespmem:$0x1C400] =	vst v63  }
0x32: {  	s1 =	simm.s32 $0x300  }
0x33: {  	[tilespmem:s11], [sflag:$0x7] =	stream.indirect.gather [hbm4b:s3+s22], $0x80, s1, s22, $0xb8;
	[tilespmem:$0x1C400] =	vst v63  }
0x34: {  	_ =	swait.ge [sflag:s8], $0x4000  }
0x35: {  	[sflag:s8] =	ssyncset.done $0x0  }
0x36: {  	s1 =	rddreg [dreg:$0x7];
	[sflag:s8] =	ssyncadd.s32 $0xFFFFC000  }
0x37: {  	[hbm4b:s1+s2] =	stream.linear.scatter [tilespmem:s6], [sflag:$0x8], $0x4000, $0x38;
	[tilespmem:$0x1C400] =	vst v63  }
0x38: {  	_ =	swait.ge [sflag:s4], $0x4000  }
0x39: {  	[sflag:s4] =	ssyncset.done $0x0  }
0x3a: {  	[sflag:s4] =	ssyncadd.s32 $0xFFFFC000  }
0x3b: {  	[tilespmem:s6], [sflag:$0x1] =	stream.indirect.gather [hbm4b:s3+s22], $0x80, s31, s22, $0xb8;
	[tilespmem:$0x1C400] =	vst v63  }
0x3c: {  	_ =	swait.ge [sflag:s28], $0x4000  }
0x3d: {  	[sflag:s28] =	ssyncset.done $0x0  }
0x3e: {  	s1 =	rddreg [dreg:$0x8];
	[sflag:s28] =	ssyncadd.s32 $0xFFFFC000  }
0x3f: {  	[hbm4b:s1+s2] =	stream.linear.scatter [tilespmem:s20], [sflag:$0x9], $0x4000, $0x38;
	[tilespmem:$0x1C400] =	vst v63  }
0x40: {  	_ =	swait.ge [sflag:s26], $0x4000  }
0x41: {  	[sflag:s26] =	ssyncset.done $0x0  }
0x42: {  	s1 =	rddreg [dreg:$0x9];
	[sflag:s26] =	ssyncadd.s32 $0xFFFFC000  }
0x43: {  	[hbm4b:s1+s2] =	stream.linear.scatter [tilespmem:s19], [sflag:$0xA], $0x4000, $0x38;
	[tilespmem:$0x1C400] =	vst v63  }
0x44: {  	_ =	swait.ge [sflag:s24], $0x4000  }
0x45: {  	[sflag:s24] =	ssyncset.done $0x0  }
0x46: {  	s1 =	rddreg [dreg:$0xa];
	[sflag:s24] =	ssyncadd.s32 $0xFFFFC000  }
0x47: {  	[hbm4b:s1+s2] =	stream.linear.scatter [tilespmem:s17], [sflag:$0xB], $0x4000, $0x38;
	[tilespmem:$0x1C400] =	vst v63  }
0x48: {  	_ =	swait.ge [sflag:s23], $0x4000  }
0x49: {  	[sflag:s23] =	ssyncset.done $0x0  }
0x4a: {  	s1 =	rddreg [dreg:$0xb];
	[sflag:s23] =	ssyncadd.s32 $0xFFFFC000  }
0x4b: {  	[hbm4b:s1+s2] =	stream.linear.scatter [tilespmem:s16], [sflag:$0xC], $0x4000, $0x38;
	[tilespmem:$0x1C400] =	vst v63  }
0x4c: {  	_ =	swait.ge [sflag:s21], $0x4000  }
0x4d: {  	[sflag:s21] =	ssyncset.done $0x0  }
0x4e: {  	s1 =	rddreg [dreg:$0xc];
	[sflag:s21] =	ssyncadd.s32 $0xFFFFC000  }
0x4f: {  	[hbm4b:s1+s2] =	stream.linear.scatter [tilespmem:s13], [sflag:$0xD], $0x4000, $0x38;
	[tilespmem:$0x1C400] =	vst v63  }
0x50: {  	_ =	swait.ge [sflag:s18], $0x4000  }
0x51: {  	[sflag:s18] =	ssyncset.done $0x0  }
0x52: {  	s1 =	rddreg [dreg:$0xd];
	[sflag:s18] =	ssyncadd.s32 $0xFFFFC000  }
0x53: {  	[hbm4b:s1+s2] =	stream.linear.scatter [tilespmem:s11], [sflag:$0xE], $0x4000, $0x38;
	[tilespmem:$0x1C400] =	vst v63  }
0x54: {  	_ =	swait.ge [sflag:s8], $0x4000  }
0x55: {  	[sflag:s8] =	ssyncset.done $0x0  }
0x56: {  	s1 =	rddreg [dreg:$0xe];
	[sflag:s8] =	ssyncadd.s32 $0xFFFFC000  }
0x57: {  	[hbm4b:s1+s2] =	stream.linear.scatter [tilespmem:s6], [sflag:$0x8], $0x4000, $0x38;
	[tilespmem:$0x1C400] =	vst v63  }
0x58: {  	_ =	swait.ge [sflag:s15], $0x4000  }
0x59: {  	[sflag:s15] =	ssyncset.done $0x0  }
0x5a: {  	[sflag:s15] =	ssyncadd.s32 $0xFFFFC000  }
0x5b: {  	_ =	swait.ge [sflag:s14], $0x4000  }
0x5c: {  	[sflag:s14] =	ssyncset.done $0x0  }
0x5d: {  	[sflag:s14] =	ssyncadd.s32 $0xFFFFC000  }
0x5e: {  	_ =	swait.ge [sflag:s12], $0x4000  }
0x5f: {  	[sflag:s12] =	ssyncset.done $0x0  }
0x60: {  	[sflag:s12] =	ssyncadd.s32 $0xFFFFC000  }
0x61: {  	_ =	swait.ge [sflag:s10], $0x4000  }
0x62: {  	[sflag:s10] =	ssyncset.done $0x0  }
0x63: {  	[sflag:s10] =	ssyncadd.s32 $0xFFFFC000  }
0x64: {  	_ =	swait.ge [sflag:s9], $0x4000  }
0x65: {  	[sflag:s9] =	ssyncset.done $0x0  }
0x66: {  	p1 =	sne.s32 s30, $0x1;
	[sflag:s9] =	ssyncadd.s32 $0xFFFFC000  }
.Ltmp1:
0x67: {  	_ =	swait.ge [sflag:s7], $0x4000;
	(pc) =	sbr.rel @!p1 .LBB2_3-.Ltmp1, $4  }
0x68: {  	[sflag:s7] =	ssyncset.done $0x0  }
0x69: {  	[sflag:s7] =	ssyncadd.s32 $0xFFFFC000  }
0x6a: {  	p0 =	por $0x1, $0x1;
	_ =	swait.ge [sflag:s4], $0x4000  }
0x6b: {  	s0 =	sadd.s32 $0xFFFFFFFF, s30;
	s1 =	rddreg [dreg:$0x5];
	[sflag:s4] =	ssyncset.done $0x0  }
.LBB2_4:
0x6c: {  	[sflag:s4] =	ssyncadd.s32 $0xFFFFC000  }
0x6d: {  	[tilespmem:s2], [sflag:$0xF] =	stream.linear.gather [hbm4b:s1+s2], $0x200, $0x38;
	[tilespmem:$0x1C400] =	vst v63  }
0x6e: {  	_ =	swait.ge [sflag:s29], $0x200  }
0x6f: {  	[sflag:s29] =	ssyncset.done $0x0  }
0x70: {  	s30 =	rddreg [dreg:$0x6];
	[sflag:s29] =	ssyncadd.s32 $0xFFFFFE00  }
0x71: {  	[tilespmem:s25], [sflag:$0xF] =	stream.linear.gather [hbm4b:s30+s2], $0x200, $0x38;
	[tilespmem:$0x1C400] =	vst v63  }
0x72: {  	_ =	swait.ge [sflag:s29], $0x200  }
0x73: {  	[sflag:s29] =	ssyncset.done $0x0  }
0x74: {  	[sflag:s29] =	ssyncadd.s32 $0xFFFFFE00  }
0x75: {  	[tilespmem:s6], [sflag:$0x1] =	stream.indirect.gather [hbm4b:s5+s22], $0x80, s2, s22, $0xb8;
	[tilespmem:$0x1C400] =	vst v63  }
0x76: {  	_ = 	snop  }
0x77: {  	[tilespmem:s20], [sflag:$0x2] =	stream.indirect.gather [hbm4b:s5+s22], $0x80, s22, s22, $0xb8;
	[tilespmem:$0x1C400] =	vst v63  }
0x78: {  	s1 =	rddreg [dreg:$0xf]  }
0x79: {  	[tilespmem:s19], [sflag:$0x3] =	stream.indirect.gather [hbm4b:s5+s22], $0x80, s1, s22, $0xb8;
	[tilespmem:$0x1C400] =	vst v63  }
0x7a: {  	s30 =	rddreg [dreg:$0x10]  }
0x7b: {  	[tilespmem:s17], [sflag:$0x4] =	stream.indirect.gather [hbm4b:s5+s22], $0x80, s30, s22, $0xb8;
	[tilespmem:$0x1C400] =	vst v63  }
0x7c: {  	_ = 	snop  }
0x7d: {  	[tilespmem:s16], [sflag:$0x5] =	stream.indirect.gather [hbm4b:s3+s22], $0x80, s25, s22, $0xb8;
	[tilespmem:$0x1C400] =	vst v63  }
0x7e: {  	s30 =	rddreg [dreg:$0x11]  }
0x7f: {  	[tilespmem:s13], [sflag:$0x6] =	stream.indirect.gather [hbm4b:s3+s22], $0x80, s30, s22, $0xb8;
	[tilespmem:$0x1C400] =	vst v63  }
0x80: {  	s30 =	simm.s32 $0x300  }
0x81: {  	[tilespmem:s11], [sflag:$0x7] =	stream.indirect.gather [hbm4b:s3+s22], $0x80, s30, s22, $0xb8;
	[tilespmem:$0x1C400] =	vst v63  }
0x82: {  	_ =	swait.ge [sflag:s8], $0x4000  }
0x83: {  	[sflag:s8] =	ssyncset.done $0x0  }
0x84: {  	s30 =	rddreg [dreg:$0x7];
	[sflag:s8] =	ssyncadd.s32 $0xFFFFC000  }
0x85: {  	[hbm4b:s30+s2] =	stream.linear.scatter [tilespmem:s6], [sflag:$0x8], $0x4000, $0x38;
	[tilespmem:$0x1C400] =	vst v63  }
0x86: {  	_ =	swait.ge [sflag:s4], $0x4000  }
0x87: {  	[sflag:s4] =	ssyncset.done $0x0  }
0x88: {  	[sflag:s4] =	ssyncadd.s32 $0xFFFFC000  }
0x89: {  	[tilespmem:s6], [sflag:$0x1] =	stream.indirect.gather [hbm4b:s3+s22], $0x80, s31, s22, $0xb8;
	[tilespmem:$0x1C400] =	vst v63  }
0x8a: {  	_ =	swait.ge [sflag:s28], $0x4000  }
0x8b: {  	[sflag:s28] =	ssyncset.done $0x0  }
0x8c: {  	s30 =	rddreg [dreg:$0x8];
	[sflag:s28] =	ssyncadd.s32 $0xFFFFC000  }
0x8d: {  	[hbm4b:s30+s2] =	stream.linear.scatter [tilespmem:s20], [sflag:$0x9], $0x4000, $0x38;
	[tilespmem:$0x1C400] =	vst v63  }
0x8e: {  	_ =	swait.ge [sflag:s26], $0x4000  }
0x8f: {  	[sflag:s26] =	ssyncset.done $0x0  }
0x90: {  	s30 =	rddreg [dreg:$0x9];
	[sflag:s26] =	ssyncadd.s32 $0xFFFFC000  }
0x91: {  	[hbm4b:s30+s2] =	stream.linear.scatter [tilespmem:s19], [sflag:$0xA], $0x4000, $0x38;
	[tilespmem:$0x1C400] =	vst v63  }
0x92: {  	_ =	swait.ge [sflag:s24], $0x4000  }
0x93: {  	[sflag:s24] =	ssyncset.done $0x0  }
0x94: {  	s30 =	rddreg [dreg:$0xa];
	[sflag:s24] =	ssyncadd.s32 $0xFFFFC000  }
0x95: {  	[hbm4b:s30+s2] =	stream.linear.scatter [tilespmem:s17], [sflag:$0xB], $0x4000, $0x38;
	[tilespmem:$0x1C400] =	vst v63  }
0x96: {  	_ =	swait.ge [sflag:s23], $0x4000  }
0x97: {  	[sflag:s23] =	ssyncset.done $0x0  }
0x98: {  	s30 =	rddreg [dreg:$0xb];
	[sflag:s23] =	ssyncadd.s32 $0xFFFFC000  }
0x99: {  	[hbm4b:s30+s2] =	stream.linear.scatter [tilespmem:s16], [sflag:$0xC], $0x4000, $0x38;
	[tilespmem:$0x1C400] =	vst v63  }
0x9a: {  	_ =	swait.ge [sflag:s21], $0x4000  }
0x9b: {  	[sflag:s21] =	ssyncset.done $0x0  }
0x9c: {  	s30 =	rddreg [dreg:$0xc];
	[sflag:s21] =	ssyncadd.s32 $0xFFFFC000  }
0x9d: {  	[hbm4b:s30+s2] =	stream.linear.scatter [tilespmem:s13], [sflag:$0xD], $0x4000, $0x38;
	[tilespmem:$0x1C400] =	vst v63  }
0x9e: {  	_ =	swait.ge [sflag:s18], $0x4000  }
0x9f: {  	[sflag:s18] =	ssyncset.done $0x0  }
0xa0: {  	s30 =	rddreg [dreg:$0xd];
	[sflag:s18] =	ssyncadd.s32 $0xFFFFC000  }
0xa1: {  	[hbm4b:s30+s2] =	stream.linear.scatter [tilespmem:s11], [sflag:$0xE], $0x4000, $0x38;
	[tilespmem:$0x1C400] =	vst v63  }
0xa2: {  	_ =	swait.ge [sflag:s8], $0x4000  }
0xa3: {  	[sflag:s8] =	ssyncset.done $0x0  }
0xa4: {  	s30 =	rddreg [dreg:$0xe];
	[sflag:s8] =	ssyncadd.s32 $0xFFFFC000  }
0xa5: {  	[hbm4b:s30+s2] =	stream.linear.scatter [tilespmem:s6], [sflag:$0x8], $0x4000, $0x38;
	[tilespmem:$0x1C400] =	vst v63  }
0xa6: {  	_ =	swait.ge [sflag:s15], $0x4000  }
0xa7: {  	[sflag:s15] =	ssyncset.done $0x0  }
0xa8: {  	[sflag:s15] =	ssyncadd.s32 $0xFFFFC000  }
0xa9: {  	_ =	swait.ge [sflag:s14], $0x4000  }
0xaa: {  	[sflag:s14] =	ssyncset.done $0x0  }
0xab: {  	[sflag:s14] =	ssyncadd.s32 $0xFFFFC000  }
0xac: {  	_ =	swait.ge [sflag:s12], $0x4000  }
0xad: {  	[sflag:s12] =	ssyncset.done $0x0  }
0xae: {  	[sflag:s12] =	ssyncadd.s32 $0xFFFFC000  }
0xaf: {  	_ =	swait.ge [sflag:s10], $0x4000  }
0xb0: {  	[sflag:s10] =	ssyncset.done $0x0  }
0xb1: {  	[sflag:s10] =	ssyncadd.s32 $0xFFFFC000  }
0xb2: {  	_ =	swait.ge [sflag:s9], $0x4000  }
0xb3: {  	[sflag:s9] =	ssyncset.done $0x0  }
0xb4: {  	p1 =	sne.s32 s0, $0x1;
	[sflag:s9] =	ssyncadd.s32 $0xFFFFC000  }
.Ltmp2:
0xb5: {  	_ =	swait.ge [sflag:s7], $0x4000;
	(pc) =	sbr.rel @p1 .LBB2_4-.Ltmp2, $4  }
0xb6: {  	[sflag:s7] =	ssyncset.done $0x0  }
0xb7: {  	[sflag:s7] =	ssyncadd.s32 $0xFFFFC000  }
0xb8: {  	_ =	swait.ge [sflag:s4], $0x4000  }
0xb9: {  	s0 =	sadd.s32 $0xFFFFFFFF, s0;
	s1 =	rddreg [dreg:$0x5];
	[sflag:s4] =	ssyncset.done $0x0  }
0xba: {  	s31 =	simm.s32 $0x300;
	s30 =	rddreg [dreg:$0x4]  }
.LBB2_6:
0xbb: {  	[sflag:s4] =	ssyncadd.s32 @p0 $0xFFFFC000  }
0xbc: {  	[tilespmem:s2], [sflag:$0xF] =	stream.linear.gather [hbm4b:s1+s2], $0x200, $0x38;
	[tilespmem:$0x1C400] =	vst v63  }
0xbd: {  	_ =	swait.ge [sflag:s29], $0x200  }
0xbe: {  	[sflag:s29] =	ssyncset.done $0x0  }
0xbf: {  	s0 =	rddreg [dreg:$0x6];
	[sflag:s29] =	ssyncadd.s32 $0xFFFFFE00  }
0xc0: {  	[tilespmem:s25], [sflag:$0xF] =	stream.linear.gather [hbm4b:s0+s2], $0x200, $0x38;
	[tilespmem:$0x1C400] =	vst v63  }
0xc1: {  	_ =	swait.ge [sflag:s29], $0x200  }
0xc2: {  	[sflag:s29] =	ssyncset.done $0x0  }
0xc3: {  	[sflag:s29] =	ssyncadd.s32 $0xFFFFFE00  }
0xc4: {  	[tilespmem:s6], [sflag:$0x1] =	stream.indirect.gather [hbm4b:s5+s22], $0x80, s2, s22, $0xb8;
	[tilespmem:$0x1C400] =	vst v63  }
0xc5: {  	_ = 	snop  }
0xc6: {  	[tilespmem:s20], [sflag:$0x2] =	stream.indirect.gather [hbm4b:s5+s22], $0x80, s22, s22, $0xb8;
	[tilespmem:$0x1C400] =	vst v63  }
0xc7: {  	s1 =	rddreg [dreg:$0xf]  }
0xc8: {  	[tilespmem:s19], [sflag:$0x3] =	stream.indirect.gather [hbm4b:s5+s22], $0x80, s1, s22, $0xb8;
	[tilespmem:$0x1C400] =	vst v63  }
0xc9: {  	s29 =	rddreg [dreg:$0x10]  }
0xca: {  	[tilespmem:s17], [sflag:$0x4] =	stream.indirect.gather [hbm4b:s5+s22], $0x80, s29, s22, $0xb8;
	[tilespmem:$0x1C400] =	vst v63  }
0xcb: {  	_ = 	snop  }
0xcc: {  	[tilespmem:s16], [sflag:$0x5] =	stream.indirect.gather [hbm4b:s3+s22], $0x80, s25, s22, $0xb8;
	[tilespmem:$0x1C400] =	vst v63  }
0xcd: {  	s29 =	rddreg [dreg:$0x11]  }
0xce: {  	[tilespmem:s13], [sflag:$0x6] =	stream.indirect.gather [hbm4b:s3+s22], $0x80, s29, s22, $0xb8;
	[tilespmem:$0x1C400] =	vst v63  }
0xcf: {  	_ = 	snop  }
0xd0: {  	[tilespmem:s11], [sflag:$0x7] =	stream.indirect.gather [hbm4b:s3+s22], $0x80, s31, s22, $0xb8;
	[tilespmem:$0x1C400] =	vst v63  }
0xd1: {  	_ =	swait.ge [sflag:s8], $0x4000  }
0xd2: {  	[sflag:s8] =	ssyncset.done $0x0  }
0xd3: {  	s31 =	rddreg [dreg:$0x7];
	[sflag:s8] =	ssyncadd.s32 $0xFFFFC000  }
0xd4: {  	[hbm4b:s31+s2] =	stream.linear.scatter [tilespmem:s6], [sflag:$0x8], $0x4000, $0x38;
	[tilespmem:$0x1C400] =	vst v63  }
0xd5: {  	_ =	swait.ge [sflag:s4], $0x4000  }
0xd6: {  	[sflag:s4] =	ssyncset.done $0x0  }
0xd7: {  	s1 =	simm.s32 $0x380;
	[sflag:s4] =	ssyncadd.s32 $0xFFFFC000  }
0xd8: {  	[tilespmem:s6], [sflag:$0x1] =	stream.indirect.gather [hbm4b:s3+s22], $0x80, s1, s22, $0xb8;
	[tilespmem:$0x1C400] =	vst v63  }
0xd9: {  	_ =	swait.ge [sflag:s28], $0x4000  }
0xda: {  	[sflag:s28] =	ssyncset.done $0x0  }
0xdb: {  	s5 =	rddreg [dreg:$0x8];
	[sflag:s28] =	ssyncadd.s32 $0xFFFFC000  }
0xdc: {  	[hbm4b:s5+s2] =	stream.linear.scatter [tilespmem:s20], [sflag:$0x9], $0x4000, $0x38;
	[tilespmem:$0x1C400] =	vst v63  }
0xdd: {  	_ =	swait.ge [sflag:s26], $0x4000  }
0xde: {  	[sflag:s26] =	ssyncset.done $0x0  }
0xdf: {  	s20 =	rddreg [dreg:$0x9];
	[sflag:s26] =	ssyncadd.s32 $0xFFFFC000  }
0xe0: {  	[hbm4b:s20+s2] =	stream.linear.scatter [tilespmem:s19], [sflag:$0xA], $0x4000, $0x38;
	[tilespmem:$0x1C400] =	vst v63  }
0xe1: {  	_ =	swait.ge [sflag:s24], $0x4000  }
0xe2: {  	[sflag:s24] =	ssyncset.done $0x0  }
0xe3: {  	s22 =	rddreg [dreg:$0xa];
	[sflag:s24] =	ssyncadd.s32 $0xFFFFC000  }
0xe4: {  	[hbm4b:s22+s2] =	stream.linear.scatter [tilespmem:s17], [sflag:$0xB], $0x4000, $0x38;
	[tilespmem:$0x1C400] =	vst v63  }
0xe5: {  	_ =	swait.ge [sflag:s23], $0x4000  }
0xe6: {  	[sflag:s23] =	ssyncset.done $0x0  }
0xe7: {  	s25 =	rddreg [dreg:$0xb];
	[sflag:s23] =	ssyncadd.s32 $0xFFFFC000  }
0xe8: {  	[hbm4b:s25+s2] =	stream.linear.scatter [tilespmem:s16], [sflag:$0xC], $0x4000, $0x38;
	[tilespmem:$0x1C400] =	vst v63  }
0xe9: {  	_ =	swait.ge [sflag:s21], $0x4000  }
0xea: {  	[sflag:s21] =	ssyncset.done $0x0  }
0xeb: {  	s26 =	rddreg [dreg:$0xc];
	[sflag:s21] =	ssyncadd.s32 $0xFFFFC000  }
0xec: {  	[hbm4b:s26+s2] =	stream.linear.scatter [tilespmem:s13], [sflag:$0xD], $0x4000, $0x38;
	[tilespmem:$0x1C400] =	vst v63  }
0xed: {  	_ =	swait.ge [sflag:s18], $0x4000  }
0xee: {  	[sflag:s18] =	ssyncset.done $0x0  }
0xef: {  	s28 =	rddreg [dreg:$0xd];
	[sflag:s18] =	ssyncadd.s32 $0xFFFFC000  }
0xf0: {  	[hbm4b:s28+s2] =	stream.linear.scatter [tilespmem:s11], [sflag:$0xE], $0x4000, $0x38;
	[tilespmem:$0x1C400] =	vst v63  }
0xf1: {  	_ =	swait.ge [sflag:s8], $0x4000  }
0xf2: {  	[sflag:s8] =	ssyncset.done $0x0  }
0xf3: {  	s29 =	rddreg [dreg:$0xe];
	[sflag:s8] =	ssyncadd.s32 $0xFFFFC000  }
0xf4: {  	[hbm4b:s29+s2] =	stream.linear.scatter [tilespmem:s6], [sflag:$0x8], $0x4000, $0x38;
	[tilespmem:$0x1C400] =	vst v63  }
0xf5: {  	_ =	swait.ge [sflag:s15], $0x4000  }
0xf6: {  	[sflag:s15] =	ssyncset.done $0x0  }
0xf7: {  	[sflag:s15] =	ssyncadd.s32 $0xFFFFC000  }
0xf8: {  	_ =	swait.ge [sflag:s14], $0x4000  }
0xf9: {  	[sflag:s14] =	ssyncset.done $0x0  }
0xfa: {  	[sflag:s14] =	ssyncadd.s32 $0xFFFFC000  }
0xfb: {  	_ =	swait.ge [sflag:s12], $0x4000  }
0xfc: {  	[sflag:s12] =	ssyncset.done $0x0  }
0xfd: {  	[sflag:s12] =	ssyncadd.s32 $0xFFFFC000  }
0xfe: {  	_ =	swait.ge [sflag:s10], $0x4000  }
0xff: {  	[sflag:s10] =	ssyncset.done $0x0  }
0x100: {  	[sflag:s10] =	ssyncadd.s32 $0xFFFFC000  }
0x101: {  	_ =	swait.ge [sflag:s9], $0x4000  }
0x102: {  	[sflag:s9] =	ssyncset.done $0x0  }
0x103: {  	[sflag:s9] =	ssyncadd.s32 $0xFFFFC000  }
0x104: {  	_ =	swait.ge [sflag:s7], $0x4000  }
0x105: {  	[sflag:s7] =	ssyncset.done $0x0  }
0x106: {  	[sflag:s7] =	ssyncadd.s32 $0xFFFFC000  }
0x107: {  	_ =	swait.ge [sflag:s4], $0x4000  }
0x108: {  	[sflag:s4] =	ssyncset.done $0x0  }
0x109: {  	[sflag:s4] =	ssyncadd.s32 $0xFFFFC000  }
0x10a: {  	_ =	sfence.sel $0x180000  }
0x10b: {  	s31 =	stileid.u32;
	[bflag:$0x0] =	sbarrier.arrive $0xFFFF  }
0x10c: {  	p0 =	sne.s32 s31, $0x0;
	_ =	strace $0x90000047  }
0x10d: {  	s0 =	sadd.s32 @!p0 $0x100000, s30;
	[bflag:$0x2] =	sbarrier.arrive $0xFFFF  }
0x10e: {  	[sflag:s0] =	ssyncadd.tile.s32 @!p0 $0x1;
	_ =	shalt  }
.LBB2_1:
.Ltmp3:
0x10f: {  	(pc) =	sbr.rel .LBB2_6-.Ltmp3, $2  }
0x110: {  	_ =	sdelay $0x2  }
0x111: {  	s31 =	simm.s32 $0x300  }
.LBB2_3:
.Ltmp4:
0x112: {  	(pc) =	sbr.rel .LBB2_6-.Ltmp4, $2  }
0x113: {  	_ =	sdelay $0x2  }
0x114: {  	s31 =	simm.s32 $0x300;
	s30 =	rddreg [dreg:$0x4]  }
.Lfunc_end2:
_tile_overlayer_lowered:
.L_overlay_start_2:
0x115: {  	(tag) =	ssettag $0x2  }
0x116: {  	s0 =	rddreg [dreg:$0x0];
	s2 =	stileid.u32  }
0x117: {  	s1 =	rddreg [dreg:$0x1];
	p0 =	sne.s32 s2, $0x0  }
0x118: {  	s3 =	rddreg [dreg:$0x2];
	[bflag:$0x3] =	sbarrier.arrive $0xFFFF;
	s2 =	simm.s32 @!p0 $0x1C0F  }
0x119: {  	[timem:s3], [sflag:s2] =	dma.local @!p0 [hbm:s0], s1  }
0x11a: {  	s0 =	simm.s32 @!p0 $0xF  }
0x11b: {  	_ =	swait.ge @!p0 [sflag:s0], s1  }
0x11c: {  	s1 =	ssub.s32 @!p0 $0x0, s1;
	[sflag:s0] =	ssyncset.done @!p0 $0x0  }
0x11d: {  	[sflag:s0] =	ssyncadd.s32 @!p0 s1  }
0x11e: {  	[bflag:$0x3] =	sbarrier.arrive $0xFFFF  }
0x11f: {  	_ =	shalt  }

</sc_bundles>
